<compile_context>
chip_gen: v7x
topology: tpu7x:2x2x1
jax: 0.10.2.dev20260603
libtpu: 0.0.44.dev20260713+nightly
codegen_flags: <defaults>
</compile_context>

<pallas_src>
import functools

import jax
import jax.numpy as jnp
from jax import lax
from jax.experimental import pallas as pl
from jax.experimental.pallas import tpu as pltpu
from jax.experimental.pallas import tpu_sc as plsc

N = 10000
E = 320000
D = 128
DH = D // 2

EPB = 2560
EP = EPB * 128
BPT = EPB // 16
ACC_ROWS = 10112
ZROWS = ACC_ROWS // 16

ROW_BLK = 2000



def _stage_a_body(f_ref, w_ref, deg_ref, z_ref):
    z = lax.dot_general(f_ref[...], w_ref[...], (((1,), (1,)), ((), ())),
                        preferred_element_type=jnp.float32)
    z = (z * lax.rsqrt(deg_ref[...])).astype(jnp.bfloat16)
    z_ref[0] = z[:, :DH]
    z_ref[1] = z[:, DH:]


_stage_a = pl.pallas_call(
    _stage_a_body,
    grid=(N // ROW_BLK,),
    in_specs=[
        pl.BlockSpec((ROW_BLK, D), lambda i: (i, 0)),
        pl.BlockSpec((D, D), lambda i: (0, 0)),
        pl.BlockSpec((ROW_BLK, 1), lambda i: (i, 0)),
    ],
    out_specs=pl.BlockSpec((2, ROW_BLK, DH), lambda i: (0, i, 0)),
    out_shape=jax.ShapeDtypeStruct((2, N, DH), jnp.bfloat16),
)



def _sc_body(z_hbm, srcb_hbm, dstb_hbm, out_hbm, sidx, didx, rows, zbuf, wbuf, acc, sem):
    c = lax.axis_index("c")
    s = lax.axis_index("s")

    zeros32 = jnp.zeros((32,), jnp.bfloat16)
    for i in range(8):
        for j in range(DH // 32):
            zbuf[i, pl.ds(j * 32, 32)] = zeros32

    def zero_loop(t, carry):
        pltpu.sync_copy(zbuf, acc.at[pl.ds(s * ZROWS + t * 8, 8)])
        return carry

    lax.fori_loop(0, ZROWS // 8, zero_loop, 0)
    plsc.subcore_barrier()

    base = s * BPT
    pltpu.sync_copy(srcb_hbm.at[pl.ds(base, BPT)], sidx)
    pltpu.sync_copy(dstb_hbm.at[pl.ds(base, BPT)], didx)

    zc = z_hbm.at[c]

    def edge_loop(t, carry):
        pltpu.async_copy(zc.at[sidx.at[t]], rows, sem).wait()
        pltpu.sync_copy(rows, acc.at[didx.at[t]], add=True)
        return carry

    lax.fori_loop(0, BPT, edge_loop, 0)
    plsc.subcore_barrier()

    for t in range(4):
        cid = s + 16 * t

        @pl.when(cid < N // 200)
        def _():
            pltpu.sync_copy(acc.at[pl.ds(cid * 200, 200)], wbuf)
            pltpu.sync_copy(wbuf, out_hbm.at[c].at[pl.ds(cid * 200, 200)])


_sc_aggregate = functools.partial(
    pl.kernel,
    out_type=jax.ShapeDtypeStruct((2, N, DH), jnp.bfloat16),
    mesh=plsc.VectorSubcoreMesh(core_axis_name="c", subcore_axis_name="s",
                                num_cores=2, num_subcores=16),
    compiler_params=pltpu.CompilerParams(use_tc_tiling_on_sc=False),
    scratch_types=[
        pltpu.VMEM((BPT, 128), jnp.int32),
        pltpu.VMEM((BPT, 128), jnp.int32),
        pltpu.VMEM((128, DH), jnp.bfloat16),
        pltpu.VMEM((8, DH), jnp.bfloat16),
        pltpu.VMEM((200, DH), jnp.bfloat16),
        pltpu.VMEM_SHARED((ACC_ROWS, DH), jnp.bfloat16),
        pltpu.SemaphoreType.DMA,
    ],
)(_sc_body)



def _stage_b_body(h_ref, deg_ref, b_ref, o_ref):
    rs = lax.rsqrt(deg_ref[...])
    o_ref[:, :DH] = h_ref[0].astype(jnp.float32) * rs + b_ref[:, :DH]
    o_ref[:, DH:] = h_ref[1].astype(jnp.float32) * rs + b_ref[:, DH:]


_stage_b = pl.pallas_call(
    _stage_b_body,
    grid=(N // ROW_BLK,),
    in_specs=[
        pl.BlockSpec((2, ROW_BLK, DH), lambda i: (0, i, 0)),
        pl.BlockSpec((ROW_BLK, 1), lambda i: (i, 0)),
        pl.BlockSpec((1, D), lambda i: (0, 0)),
    ],
    out_specs=pl.BlockSpec((ROW_BLK, D), lambda i: (i, 0)),
    out_shape=jax.ShapeDtypeStruct((N, D), jnp.float32),
)


def kernel(feature, edge_index, degree, W, b):
    src = edge_index[0].astype(jnp.int32)
    dst = edge_index[1].astype(jnp.int32)
    pad = EP - E
    srcb = jnp.concatenate([src, jnp.zeros((pad,), jnp.int32)]).reshape(EPB, 128)
    dstb = jnp.concatenate(
        [dst, N + (jnp.arange(pad, dtype=jnp.int32) % (ACC_ROWS - N))]
    ).reshape(EPB, 128)
    deg2 = degree.reshape(N, 1)

    z = _stage_a(feature, W, deg2)
    h_parts = _sc_aggregate(z, srcb, dstb)
    return _stage_b(h_parts, deg2, b.reshape(1, D))

# --- scband reference (transcript-rebuilt; emitter-appended) ---
"""Pipeline reference for scband-degree-gcnlayer-27642409517680 (READ-ONLY COPY).

The authoritative reference and input builder live on the scoring server;
editing this copy changes nothing except your own understanding.
"""

import jax, jax.numpy as jnp
import numpy as np

N_NODES = 10000
N_EDGES = 320000
D_IN = 128
D_OUT = 128


def setup_inputs(seed: int = 0) -> dict:
    key = jax.random.key(seed)
    k1, k2, k3, k4 = jax.random.split(key, 4)
    feature = jax.random.normal(k1, (N_NODES, D_IN), dtype=jnp.float32)
    edge_index = jax.random.randint(k2, (2, N_EDGES), 0, N_NODES, dtype=jnp.int64)
    # degree as stored in g.ndata['degree'] in the original DGL module:
    # use in-degree computed from the graph, clipped to >= 1 to avoid div-by-zero
    dst = edge_index[1]
    degree = jnp.maximum(jnp.bincount(dst, length=N_NODES), 1).astype(jnp.float32)
    # nn.Linear(in_feats, out_feats) parameters
    bound = 1.0 / np.sqrt(D_IN)
    W = jax.random.uniform(k3, (D_OUT, D_IN), minval=-bound, maxval=bound, dtype=jnp.float32)
    b = jax.random.uniform(k4, (D_OUT,), minval=-bound, maxval=bound, dtype=jnp.float32)
    return {"feature": feature, "edge_index": edge_index, "degree": degree, "W": W, "b": b}


def reference(feature, edge_index, degree, W, b):
    src = edge_index[0]
    dst = edge_index[1]
    # message_func: m = src_h / sqrt(src_degree)  (degree broadcast over feature dim)
    m = feature[src] / jnp.sqrt(degree[src])[:, None]
    # reduce_func: h = sum of incoming messages per destination node
    h = jax.ops.segment_sum(m, dst, num_segments=feature.shape[0])
    # apply_nodes: h = h / sqrt(degree); h = linear(h)
    h = h / jnp.sqrt(degree)[:, None]
    h = h @ W.T + b
    return h

if __name__ == "__main__":
    import jax
    _d = setup_inputs()
    print(jax.jit(kernel)(*tuple(_d.values())))

</pallas_src>

<mosaic_0001>
#map = affine_map<(d0, d1) -> (0, 0, 0)>
#map1 = affine_map<(d0, d1) -> (0, 0)>
module attributes {stable_mosaic.version = 14 : i64} {
  func.func @_sc_body(%arg0: i32, %arg1: i32, %arg2: memref<2x10000x64xbf16, #tpu.memory_space<hbm>>, %arg3: memref<2560x128xi32, #tpu.memory_space<hbm>>, %arg4: memref<2560x128xi32, #tpu.memory_space<hbm>>, %arg5: memref<2x10000x64xbf16, #tpu.memory_space<hbm>>, %arg6: memref<160x128xi32, #tpu.memory_space<vmem>>, %arg7: memref<160x128xi32, #tpu.memory_space<vmem>>, %arg8: memref<128x64xbf16, #tpu.memory_space<vmem>>, %arg9: memref<8x64xbf16, #tpu.memory_space<vmem>>, %arg10: memref<200x64xbf16, #tpu.memory_space<vmem>>, %arg11: memref<10112x64xbf16, #tpu.memory_space<vmem_shared>>, %arg12: memref<!tpu.dma_semaphore, #tpu.memory_space<semaphore_mem>>) attributes {dimension_semantics = [#tpu.dimension_semantics<core_parallel>, #tpu.dimension_semantics<subcore_parallel>], iteration_bounds = array<i64: 2, 16>, scalar_prefetch = 0 : i64, scratch_operands = 7 : i64, tpu.core_type = #tpu.core_type<sc_vector_subcore>, window_params = [{transform_indices = #map}, {transform_indices = #map1}, {transform_indices = #map1}, {transform_indices = #map}]} {
    %broadcast_in_dim3A = arith.constant 0.000000e+00 : bf16
    %broadcast_in_dim3A_0 = vector.broadcast %broadcast_in_dim3A : bf16 to vector<32xbf16>
    %swap3A = arith.constant 0 : i32
    %swap3A_1 = arith.index_cast %swap3A : i32 to index
    %swap3A_2 = arith.constant 0 : index
    %swap3A_3 = tpu.vector_load %arg9[%swap3A_1, %swap3A_2] {strides = array<i32>} : memref<8x64xbf16, #tpu.memory_space<vmem>>, vector<1x32xbf16>,
    %swap3A_4 = vector.shape_cast %swap3A_3 : vector<1x32xbf16> to vector<32xbf16>
    %swap3A_5 = vector.shape_cast %broadcast_in_dim3A_0 : vector<32xbf16> to vector<1x32xbf16>
    tpu.vector_store %arg9[%swap3A_1, %swap3A_2], %swap3A_5 {strides = array<i32>} : memref<8x64xbf16, #tpu.memory_space<vmem>>, vector<1x32xbf16>,
    %swap3A_6 = arith.constant 0 : i32
    %swap3A_7 = arith.index_cast %swap3A_6 : i32 to index
    %swap3A_8 = arith.constant 32 : index
    %swap3A_9 = tpu.vector_load %arg9[%swap3A_7, %swap3A_8] {strides = array<i32>} : memref<8x64xbf16, #tpu.memory_space<vmem>>, vector<1x32xbf16>,
    %swap3A_10 = vector.shape_cast %swap3A_9 : vector<1x32xbf16> to vector<32xbf16>
    %swap3A_11 = vector.shape_cast %broadcast_in_dim3A_0 : vector<32xbf16> to vector<1x32xbf16>
    tpu.vector_store %arg9[%swap3A_7, %swap3A_8], %swap3A_11 {strides = array<i32>} : memref<8x64xbf16, #tpu.memory_space<vmem>>, vector<1x32xbf16>,
    %swap3A_12 = arith.constant 1 : i32
    %swap3A_13 = arith.index_cast %swap3A_12 : i32 to index
    %swap3A_14 = arith.constant 0 : index
    %swap3A_15 = tpu.vector_load %arg9[%swap3A_13, %swap3A_14] {strides = array<i32>} : memref<8x64xbf16, #tpu.memory_space<vmem>>, vector<1x32xbf16>,
    %swap3A_16 = vector.shape_cast %swap3A_15 : vector<1x32xbf16> to vector<32xbf16>
    %swap3A_17 = vector.shape_cast %broadcast_in_dim3A_0 : vector<32xbf16> to vector<1x32xbf16>
    tpu.vector_store %arg9[%swap3A_13, %swap3A_14], %swap3A_17 {strides = array<i32>} : memref<8x64xbf16, #tpu.memory_space<vmem>>, vector<1x32xbf16>,
    %swap3A_18 = arith.constant 1 : i32
    %swap3A_19 = arith.index_cast %swap3A_18 : i32 to index
    %swap3A_20 = arith.constant 32 : index
    %swap3A_21 = tpu.vector_load %arg9[%swap3A_19, %swap3A_20] {strides = array<i32>} : memref<8x64xbf16, #tpu.memory_space<vmem>>, vector<1x32xbf16>,
    %swap3A_22 = vector.shape_cast %swap3A_21 : vector<1x32xbf16> to vector<32xbf16>
    %swap3A_23 = vector.shape_cast %broadcast_in_dim3A_0 : vector<32xbf16> to vector<1x32xbf16>
    tpu.vector_store %arg9[%swap3A_19, %swap3A_20], %swap3A_23 {strides = array<i32>} : memref<8x64xbf16, #tpu.memory_space<vmem>>, vector<1x32xbf16>,
    %swap3A_24 = arith.constant 2 : i32
    %swap3A_25 = arith.index_cast %swap3A_24 : i32 to index
    %swap3A_26 = arith.constant 0 : index
    %swap3A_27 = tpu.vector_load %arg9[%swap3A_25, %swap3A_26] {strides = array<i32>} : memref<8x64xbf16, #tpu.memory_space<vmem>>, vector<1x32xbf16>,
    %swap3A_28 = vector.shape_cast %swap3A_27 : vector<1x32xbf16> to vector<32xbf16>
    %swap3A_29 = vector.shape_cast %broadcast_in_dim3A_0 : vector<32xbf16> to vector<1x32xbf16>
    tpu.vector_store %arg9[%swap3A_25, %swap3A_26], %swap3A_29 {strides = array<i32>} : memref<8x64xbf16, #tpu.memory_space<vmem>>, vector<1x32xbf16>,
    %swap3A_30 = arith.constant 2 : i32
    %swap3A_31 = arith.index_cast %swap3A_30 : i32 to index
    %swap3A_32 = arith.constant 32 : index
    %swap3A_33 = tpu.vector_load %arg9[%swap3A_31, %swap3A_32] {strides = array<i32>} : memref<8x64xbf16, #tpu.memory_space<vmem>>, vector<1x32xbf16>,
    %swap3A_34 = vector.shape_cast %swap3A_33 : vector<1x32xbf16> to vector<32xbf16>
    %swap3A_35 = vector.shape_cast %broadcast_in_dim3A_0 : vector<32xbf16> to vector<1x32xbf16>
    tpu.vector_store %arg9[%swap3A_31, %swap3A_32], %swap3A_35 {strides = array<i32>} : memref<8x64xbf16, #tpu.memory_space<vmem>>, vector<1x32xbf16>,
    %swap3A_36 = arith.constant 3 : i32
    %swap3A_37 = arith.index_cast %swap3A_36 : i32 to index
    %swap3A_38 = arith.constant 0 : index
    %swap3A_39 = tpu.vector_load %arg9[%swap3A_37, %swap3A_38] {strides = array<i32>} : memref<8x64xbf16, #tpu.memory_space<vmem>>, vector<1x32xbf16>,
    %swap3A_40 = vector.shape_cast %swap3A_39 : vector<1x32xbf16> to vector<32xbf16>
    %swap3A_41 = vector.shape_cast %broadcast_in_dim3A_0 : vector<32xbf16> to vector<1x32xbf16>
    tpu.vector_store %arg9[%swap3A_37, %swap3A_38], %swap3A_41 {strides = array<i32>} : memref<8x64xbf16, #tpu.memory_space<vmem>>, vector<1x32xbf16>,
    %swap3A_42 = arith.constant 3 : i32
    %swap3A_43 = arith.index_cast %swap3A_42 : i32 to index
    %swap3A_44 = arith.constant 32 : index
    %swap3A_45 = tpu.vector_load %arg9[%swap3A_43, %swap3A_44] {strides = array<i32>} : memref<8x64xbf16, #tpu.memory_space<vmem>>, vector<1x32xbf16>,
    %swap3A_46 = vector.shape_cast %swap3A_45 : vector<1x32xbf16> to vector<32xbf16>
    %swap3A_47 = vector.shape_cast %broadcast_in_dim3A_0 : vector<32xbf16> to vector<1x32xbf16>
    tpu.vector_store %arg9[%swap3A_43, %swap3A_44], %swap3A_47 {strides = array<i32>} : memref<8x64xbf16, #tpu.memory_space<vmem>>, vector<1x32xbf16>,
    %swap3A_48 = arith.constant 4 : i32
    %swap3A_49 = arith.index_cast %swap3A_48 : i32 to index
    %swap3A_50 = arith.constant 0 : index
    %swap3A_51 = tpu.vector_load %arg9[%swap3A_49, %swap3A_50] {strides = array<i32>} : memref<8x64xbf16, #tpu.memory_space<vmem>>, vector<1x32xbf16>,
    %swap3A_52 = vector.shape_cast %swap3A_51 : vector<1x32xbf16> to vector<32xbf16>
    %swap3A_53 = vector.shape_cast %broadcast_in_dim3A_0 : vector<32xbf16> to vector<1x32xbf16>
    tpu.vector_store %arg9[%swap3A_49, %swap3A_50], %swap3A_53 {strides = array<i32>} : memref<8x64xbf16, #tpu.memory_space<vmem>>, vector<1x32xbf16>,
    %swap3A_54 = arith.constant 4 : i32
    %swap3A_55 = arith.index_cast %swap3A_54 : i32 to index
    %swap3A_56 = arith.constant 32 : index
    %swap3A_57 = tpu.vector_load %arg9[%swap3A_55, %swap3A_56] {strides = array<i32>} : memref<8x64xbf16, #tpu.memory_space<vmem>>, vector<1x32xbf16>,
    %swap3A_58 = vector.shape_cast %swap3A_57 : vector<1x32xbf16> to vector<32xbf16>
    %swap3A_59 = vector.shape_cast %broadcast_in_dim3A_0 : vector<32xbf16> to vector<1x32xbf16>
    tpu.vector_store %arg9[%swap3A_55, %swap3A_56], %swap3A_59 {strides = array<i32>} : memref<8x64xbf16, #tpu.memory_space<vmem>>, vector<1x32xbf16>,
    %swap3A_60 = arith.constant 5 : i32
    %swap3A_61 = arith.index_cast %swap3A_60 : i32 to index
    %swap3A_62 = arith.constant 0 : index
    %swap3A_63 = tpu.vector_load %arg9[%swap3A_61, %swap3A_62] {strides = array<i32>} : memref<8x64xbf16, #tpu.memory_space<vmem>>, vector<1x32xbf16>,
    %swap3A_64 = vector.shape_cast %swap3A_63 : vector<1x32xbf16> to vector<32xbf16>
    %swap3A_65 = vector.shape_cast %broadcast_in_dim3A_0 : vector<32xbf16> to vector<1x32xbf16>
    tpu.vector_store %arg9[%swap3A_61, %swap3A_62], %swap3A_65 {strides = array<i32>} : memref<8x64xbf16, #tpu.memory_space<vmem>>, vector<1x32xbf16>,
    %swap3A_66 = arith.constant 5 : i32
    %swap3A_67 = arith.index_cast %swap3A_66 : i32 to index
    %swap3A_68 = arith.constant 32 : index
    %swap3A_69 = tpu.vector_load %arg9[%swap3A_67, %swap3A_68] {strides = array<i32>} : memref<8x64xbf16, #tpu.memory_space<vmem>>, vector<1x32xbf16>,
    %swap3A_70 = vector.shape_cast %swap3A_69 : vector<1x32xbf16> to vector<32xbf16>
    %swap3A_71 = vector.shape_cast %broadcast_in_dim3A_0 : vector<32xbf16> to vector<1x32xbf16>
    tpu.vector_store %arg9[%swap3A_67, %swap3A_68], %swap3A_71 {strides = array<i32>} : memref<8x64xbf16, #tpu.memory_space<vmem>>, vector<1x32xbf16>,
    %swap3A_72 = arith.constant 6 : i32
    %swap3A_73 = arith.index_cast %swap3A_72 : i32 to index
    %swap3A_74 = arith.constant 0 : index
    %swap3A_75 = tpu.vector_load %arg9[%swap3A_73, %swap3A_74] {strides = array<i32>} : memref<8x64xbf16, #tpu.memory_space<vmem>>, vector<1x32xbf16>,
    %swap3A_76 = vector.shape_cast %swap3A_75 : vector<1x32xbf16> to vector<32xbf16>
    %swap3A_77 = vector.shape_cast %broadcast_in_dim3A_0 : vector<32xbf16> to vector<1x32xbf16>
    tpu.vector_store %arg9[%swap3A_73, %swap3A_74], %swap3A_77 {strides = array<i32>} : memref<8x64xbf16, #tpu.memory_space<vmem>>, vector<1x32xbf16>,
    %swap3A_78 = arith.constant 6 : i32
    %swap3A_79 = arith.index_cast %swap3A_78 : i32 to index
    %swap3A_80 = arith.constant 32 : index
    %swap3A_81 = tpu.vector_load %arg9[%swap3A_79, %swap3A_80] {strides = array<i32>} : memref<8x64xbf16, #tpu.memory_space<vmem>>, vector<1x32xbf16>,
    %swap3A_82 = vector.shape_cast %swap3A_81 : vector<1x32xbf16> to vector<32xbf16>
    %swap3A_83 = vector.shape_cast %broadcast_in_dim3A_0 : vector<32xbf16> to vector<1x32xbf16>
    tpu.vector_store %arg9[%swap3A_79, %swap3A_80], %swap3A_83 {strides = array<i32>} : memref<8x64xbf16, #tpu.memory_space<vmem>>, vector<1x32xbf16>,
    %swap3A_84 = arith.constant 7 : i32
    %swap3A_85 = arith.index_cast %swap3A_84 : i32 to index
    %swap3A_86 = arith.constant 0 : index
    %swap3A_87 = tpu.vector_load %arg9[%swap3A_85, %swap3A_86] {strides = array<i32>} : memref<8x64xbf16, #tpu.memory_space<vmem>>, vector<1x32xbf16>,
    %swap3A_88 = vector.shape_cast %swap3A_87 : vector<1x32xbf16> to vector<32xbf16>
    %swap3A_89 = vector.shape_cast %broadcast_in_dim3A_0 : vector<32xbf16> to vector<1x32xbf16>
    tpu.vector_store %arg9[%swap3A_85, %swap3A_86], %swap3A_89 {strides = array<i32>} : memref<8x64xbf16, #tpu.memory_space<vmem>>, vector<1x32xbf16>,
    %swap3A_90 = arith.constant 7 : i32
    %swap3A_91 = arith.index_cast %swap3A_90 : i32 to index
    %swap3A_92 = arith.constant 32 : index
    %swap3A_93 = tpu.vector_load %arg9[%swap3A_91, %swap3A_92] {strides = array<i32>} : memref<8x64xbf16, #tpu.memory_space<vmem>>, vector<1x32xbf16>,
    %swap3A_94 = vector.shape_cast %swap3A_93 : vector<1x32xbf16> to vector<32xbf16>
    %swap3A_95 = vector.shape_cast %broadcast_in_dim3A_0 : vector<32xbf16> to vector<1x32xbf16>
    tpu.vector_store %arg9[%swap3A_91, %swap3A_92], %swap3A_95 {strides = array<i32>} : memref<8x64xbf16, #tpu.memory_space<vmem>>, vector<1x32xbf16>,
    %scan3A = arith.constant 0 : i32
    %scan3A_96 = arith.constant 0 : i32
    %scan3A_97 = arith.constant 79 : i32
    %scan3A_98 = arith.addi %scan3A_96, %scan3A_97 : i32
    %scan3A_99 = arith.constant 1 : i32
    scf.for %scan3A_133 = %scan3A_96 to %scan3A_98 step %scan3A_99  : i32 {
      %mul3A_134 = arith.constant 632 : i32
      %mul3A_135 = arith.muli %arg1, %mul3A_134 : i32
      %mul3A_136 = arith.constant 8 : i32
      %mul3A_137 = arith.muli %scan3A_133, %mul3A_136 : i32
      %add3A_138 = arith.addi %mul3A_135, %mul3A_137 : i32
      "tpu.region"() ({
        %run_scoped3A = tpu.sem_alloc : memref<!tpu.dma_semaphore, #tpu.memory_space<semaphore_mem>>
        %dma_start3A = arith.constant 0 : i32
        %dma_start3A_139 = tpu.memref_slice %arg11[%add3A_138, %dma_start3A] : memref<10112x64xbf16, #tpu.memory_space<vmem_shared>> -> memref<8x64xbf16, #tpu.memory_space<vmem_shared>>
        %dma_start3A_140 = arith.constant 0 : i32
        %dma_start3A_141 = tpu.memref_slice %arg11[%add3A_138, %dma_start3A_140] : memref<10112x64xbf16, #tpu.memory_space<vmem_shared>> -> memref<8x64xbf16, #tpu.memory_space<vmem_shared>>
        tpu.enqueue_dma source(%arg9 : memref<8x64xbf16, #tpu.memory_space<vmem>>) target(%dma_start3A_141 : memref<8x64xbf16, #tpu.memory_space<vmem_shared>>) target_semaphore(%run_scoped3A : memref<!tpu.dma_semaphore, #tpu.memory_space<semaphore_mem>>)
        %dma_wait3A = arith.constant 0 : i32
        %dma_wait3A_142 = tpu.memref_slice %arg11[%add3A_138, %dma_wait3A] : memref<10112x64xbf16, #tpu.memory_space<vmem_shared>> -> memref<8x64xbf16, #tpu.memory_space<vmem_shared>>
        %dma_wait3A_143 = arith.constant 0 : i32
        %dma_wait3A_144 = tpu.memref_slice %arg11[%add3A_138, %dma_wait3A_143] : memref<10112x64xbf16, #tpu.memory_space<vmem_shared>> -> memref<8x64xbf16, #tpu.memory_space<vmem_shared>>
        tpu.wait_dma2 semaphore(%run_scoped3A : memref<!tpu.dma_semaphore, #tpu.memory_space<semaphore_mem>>) src(%arg9 : memref<8x64xbf16, #tpu.memory_space<vmem>>) dst(%dma_wait3A_144 : memref<8x64xbf16, #tpu.memory_space<vmem_shared>>)
        tpu.yield
      }) : () -> ()
    }
    %scan3A_100 = arith.constant 79 : i32
    %barrier3A = arith.constant 0 : index
    tpu.barrier barrier_id(%barrier3A)
    %mul3A = arith.constant 160 : i32
    %mul3A_101 = arith.muli %arg1, %mul3A : i32
    "tpu.region"() ({
      %run_scoped3A = tpu.sem_alloc : memref<!tpu.dma_semaphore, #tpu.memory_space<semaphore_mem>>
      %dma_start3A = arith.constant 0 : i32
      %dma_start3A_133 = tpu.memref_slice %arg3[%mul3A_101, %dma_start3A] : memref<2560x128xi32, #tpu.memory_space<hbm>> -> memref<160x128xi32, #tpu.memory_space<hbm>>
      %dma_start3A_134 = arith.constant 0 : i32
      %dma_start3A_135 = tpu.memref_slice %arg3[%mul3A_101, %dma_start3A_134] : memref<2560x128xi32, #tpu.memory_space<hbm>> -> memref<160x128xi32, #tpu.memory_space<hbm>>
      tpu.enqueue_dma source(%dma_start3A_135 : memref<160x128xi32, #tpu.memory_space<hbm>>) target(%arg6 : memref<160x128xi32, #tpu.memory_space<vmem>>) target_semaphore(%run_scoped3A : memref<!tpu.dma_semaphore, #tpu.memory_space<semaphore_mem>>)
      %dma_wait3A = arith.constant 0 : i32
      %dma_wait3A_136 = tpu.memref_slice %arg3[%mul3A_101, %dma_wait3A] : memref<2560x128xi32, #tpu.memory_space<hbm>> -> memref<160x128xi32, #tpu.memory_space<hbm>>
      %dma_wait3A_137 = arith.constant 0 : i32
      %dma_wait3A_138 = tpu.memref_slice %arg3[%mul3A_101, %dma_wait3A_137] : memref<2560x128xi32, #tpu.memory_space<hbm>> -> memref<160x128xi32, #tpu.memory_space<hbm>>
      tpu.wait_dma2 semaphore(%run_scoped3A : memref<!tpu.dma_semaphore, #tpu.memory_space<semaphore_mem>>) src(%dma_wait3A_138 : memref<160x128xi32, #tpu.memory_space<hbm>>) dst(%arg6 : memref<160x128xi32, #tpu.memory_space<vmem>>)
      tpu.yield
    }) : () -> ()
    "tpu.region"() ({
      %run_scoped3A = tpu.sem_alloc : memref<!tpu.dma_semaphore, #tpu.memory_space<semaphore_mem>>
      %dma_start3A = arith.constant 0 : i32
      %dma_start3A_133 = tpu.memref_slice %arg4[%mul3A_101, %dma_start3A] : memref<2560x128xi32, #tpu.memory_space<hbm>> -> memref<160x128xi32, #tpu.memory_space<hbm>>
      %dma_start3A_134 = arith.constant 0 : i32
      %dma_start3A_135 = tpu.memref_slice %arg4[%mul3A_101, %dma_start3A_134] : memref<2560x128xi32, #tpu.memory_space<hbm>> -> memref<160x128xi32, #tpu.memory_space<hbm>>
      tpu.enqueue_dma source(%dma_start3A_135 : memref<160x128xi32, #tpu.memory_space<hbm>>) target(%arg7 : memref<160x128xi32, #tpu.memory_space<vmem>>) target_semaphore(%run_scoped3A : memref<!tpu.dma_semaphore, #tpu.memory_space<semaphore_mem>>)
      %dma_wait3A = arith.constant 0 : i32
      %dma_wait3A_136 = tpu.memref_slice %arg4[%mul3A_101, %dma_wait3A] : memref<2560x128xi32, #tpu.memory_space<hbm>> -> memref<160x128xi32, #tpu.memory_space<hbm>>
      %dma_wait3A_137 = arith.constant 0 : i32
      %dma_wait3A_138 = tpu.memref_slice %arg4[%mul3A_101, %dma_wait3A_137] : memref<2560x128xi32, #tpu.memory_space<hbm>> -> memref<160x128xi32, #tpu.memory_space<hbm>>
      tpu.wait_dma2 semaphore(%run_scoped3A : memref<!tpu.dma_semaphore, #tpu.memory_space<semaphore_mem>>) src(%dma_wait3A_138 : memref<160x128xi32, #tpu.memory_space<hbm>>) dst(%arg7 : memref<160x128xi32, #tpu.memory_space<vmem>>)
      tpu.yield
    }) : () -> ()
    %scan3A_102 = arith.constant 0 : i32
    %scan3A_103 = arith.constant 0 : i32
    %scan3A_104 = arith.constant 160 : i32
    %scan3A_105 = arith.addi %scan3A_103, %scan3A_104 : i32
    %scan3A_106 = arith.constant 1 : i32
    scf.for %scan3A_133 = %scan3A_103 to %scan3A_105 step %scan3A_106  : i32 {
      %dma_start3A = arith.constant 0 : i32
      %dma_start3A_134 = tpu.memref_slice %arg6[%scan3A_133, %dma_start3A] : memref<160x128xi32, #tpu.memory_space<vmem>> -> memref<1x128xi32, #tpu.memory_space<vmem>>
      %dma_start3A_135 = tpu.memref_squeeze %dma_start3A_134 : memref<1x128xi32, #tpu.memory_space<vmem>> -> memref<128xi32, #tpu.memory_space<vmem>>
      %dma_start3A_136 = arith.constant 0 : i32
      %dma_start3A_137 = arith.constant 0 : i32
      %dma_start3A_138 = tpu.memref_slice %arg2[%arg0, %dma_start3A_136, %dma_start3A_137] : memref<2x10000x64xbf16, #tpu.memory_space<hbm>> -> memref<1x10000x64xbf16, #tpu.memory_space<hbm>>
      %dma_start3A_139 = tpu.memref_squeeze %dma_start3A_138 : memref<1x10000x64xbf16, #tpu.memory_space<hbm>> -> memref<10000x64xbf16, #tpu.memory_space<hbm>>
      %dma_start3A_140 = arith.constant 0 : i32
      %dma_start3A_141 = arith.constant 0 : i32
      %dma_start3A_142 = tpu.memref_slice %dma_start3A_139[%dma_start3A_140, %dma_start3A_141] : memref<10000x64xbf16, #tpu.memory_space<hbm>> -> memref<10000x64xbf16, #tpu.memory_space<hbm>>
      tpu.enqueue_indirect_dma source(%dma_start3A_142 : memref<10000x64xbf16, #tpu.memory_space<hbm>>) target(%arg8 : memref<128x64xbf16, #tpu.memory_space<vmem>>) offsets(%dma_start3A_135 : memref<128xi32, #tpu.memory_space<vmem>>) semaphore(%arg12 : memref<!tpu.dma_semaphore, #tpu.memory_space<semaphore_mem>>)
      %dma_wait3A = arith.constant 0 : i32
      %dma_wait3A_143 = tpu.memref_slice %arg6[%scan3A_133, %dma_wait3A] : memref<160x128xi32, #tpu.memory_space<vmem>> -> memref<1x128xi32, #tpu.memory_space<vmem>>
      %dma_wait3A_144 = tpu.memref_squeeze %dma_wait3A_143 : memref<1x128xi32, #tpu.memory_space<vmem>> -> memref<128xi32, #tpu.memory_space<vmem>>
      %dma_wait3A_145 = arith.constant 0 : i32
      %dma_wait3A_146 = arith.constant 0 : i32
      %dma_wait3A_147 = tpu.memref_slice %arg2[%arg0, %dma_wait3A_145, %dma_wait3A_146] : memref<2x10000x64xbf16, #tpu.memory_space<hbm>> -> memref<1x10000x64xbf16, #tpu.memory_space<hbm>>
      %dma_wait3A_148 = tpu.memref_squeeze %dma_wait3A_147 : memref<1x10000x64xbf16, #tpu.memory_space<hbm>> -> memref<10000x64xbf16, #tpu.memory_space<hbm>>
      %dma_wait3A_149 = arith.constant 0 : i32
      %dma_wait3A_150 = arith.constant 0 : i32
      %dma_wait3A_151 = tpu.memref_slice %dma_wait3A_148[%dma_wait3A_149, %dma_wait3A_150] : memref<10000x64xbf16, #tpu.memory_space<hbm>> -> memref<10000x64xbf16, #tpu.memory_space<hbm>>
      tpu.wait_indirect_dma semaphore(%arg12 : memref<!tpu.dma_semaphore, #tpu.memory_space<semaphore_mem>>) src(%dma_wait3A_151 : memref<10000x64xbf16, #tpu.memory_space<hbm>>) dst(%arg8 : memref<128x64xbf16, #tpu.memory_space<vmem>>)
      "tpu.region"() ({
        %run_scoped3A = tpu.sem_alloc : memref<!tpu.dma_semaphore, #tpu.memory_space<semaphore_mem>>
        %dma_start3A_152 = arith.constant 0 : i32
        %dma_start3A_153 = tpu.memref_slice %arg7[%scan3A_133, %dma_start3A_152] : memref<160x128xi32, #tpu.memory_space<vmem>> -> memref<1x128xi32, #tpu.memory_space<vmem>>
        %dma_start3A_154 = tpu.memref_squeeze %dma_start3A_153 : memref<1x128xi32, #tpu.memory_space<vmem>> -> memref<128xi32, #tpu.memory_space<vmem>>
        %dma_start3A_155 = arith.constant 0 : i32
        %dma_start3A_156 = arith.constant 0 : i32
        %dma_start3A_157 = tpu.memref_slice %arg11[%dma_start3A_155, %dma_start3A_156] : memref<10112x64xbf16, #tpu.memory_space<vmem_shared>> -> memref<10112x64xbf16, #tpu.memory_space<vmem_shared>>
        tpu.enqueue_indirect_dma source(%arg8 : memref<128x64xbf16, #tpu.memory_space<vmem>>) target(%dma_start3A_157 : memref<10112x64xbf16, #tpu.memory_space<vmem_shared>>) offsets(%dma_start3A_154 : memref<128xi32, #tpu.memory_space<vmem>>) semaphore(%run_scoped3A : memref<!tpu.dma_semaphore, #tpu.memory_space<semaphore_mem>>) {add = true}
        %dma_wait3A_158 = arith.constant 0 : i32
        %dma_wait3A_159 = tpu.memref_slice %arg7[%scan3A_133, %dma_wait3A_158] : memref<160x128xi32, #tpu.memory_space<vmem>> -> memref<1x128xi32, #tpu.memory_space<vmem>>
        %dma_wait3A_160 = tpu.memref_squeeze %dma_wait3A_159 : memref<1x128xi32, #tpu.memory_space<vmem>> -> memref<128xi32, #tpu.memory_space<vmem>>
        %dma_wait3A_161 = arith.constant 0 : i32
        %dma_wait3A_162 = arith.constant 0 : i32
        %dma_wait3A_163 = tpu.memref_slice %arg11[%dma_wait3A_161, %dma_wait3A_162] : memref<10112x64xbf16, #tpu.memory_space<vmem_shared>> -> memref<10112x64xbf16, #tpu.memory_space<vmem_shared>>
        tpu.wait_indirect_dma semaphore(%run_scoped3A : memref<!tpu.dma_semaphore, #tpu.memory_space<semaphore_mem>>) src(%arg8 : memref<128x64xbf16, #tpu.memory_space<vmem>>) dst(%dma_wait3A_163 : memref<10112x64xbf16, #tpu.memory_space<vmem_shared>>)
        tpu.yield
      }) : () -> ()
    }
    %scan3A_107 = arith.constant 160 : i32
    %barrier3A_108 = arith.constant 0 : index
    tpu.barrier barrier_id(%barrier3A_108)
    %add3A = arith.constant 0 : i32
    %add3A_109 = arith.addi %arg1, %add3A : i32
    %lt3A = arith.constant 50 : i32
    %lt3A_110 = arith.cmpi slt, %add3A_109, %lt3A : i32
    %convert_element_type3A = arith.extui %lt3A_110 : i1 to i32
    %cond3A = arith.constant 0 : i32
    %cond3A_111 = arith.cmpi ne, %convert_element_type3A, %cond3A : i32
    scf.if %cond3A_111 {
      %mul3A_133 = arith.constant 200 : i32
      %mul3A_134 = arith.muli %add3A_109, %mul3A_133 : i32
      "tpu.region"() ({
        %run_scoped3A = tpu.sem_alloc : memref<!tpu.dma_semaphore, #tpu.memory_space<semaphore_mem>>
        %dma_start3A = arith.constant 0 : i32
        %dma_start3A_137 = tpu.memref_slice %arg11[%mul3A_134, %dma_start3A] : memref<10112x64xbf16, #tpu.memory_space<vmem_shared>> -> memref<200x64xbf16, #tpu.memory_space<vmem_shared>>
        %dma_start3A_138 = arith.constant 0 : i32
        %dma_start3A_139 = tpu.memref_slice %arg11[%mul3A_134, %dma_start3A_138] : memref<10112x64xbf16, #tpu.memory_space<vmem_shared>> -> memref<200x64xbf16, #tpu.memory_space<vmem_shared>>
        tpu.enqueue_dma source(%dma_start3A_139 : memref<200x64xbf16, #tpu.memory_space<vmem_shared>>) target(%arg10 : memref<200x64xbf16, #tpu.memory_space<vmem>>) target_semaphore(%run_scoped3A : memref<!tpu.dma_semaphore, #tpu.memory_space<semaphore_mem>>)
        %dma_wait3A = arith.constant 0 : i32
        %dma_wait3A_140 = tpu.memref_slice %arg11[%mul3A_134, %dma_wait3A] : memref<10112x64xbf16, #tpu.memory_space<vmem_shared>> -> memref<200x64xbf16, #tpu.memory_space<vmem_shared>>
        %dma_wait3A_141 = arith.constant 0 : i32
        %dma_wait3A_142 = tpu.memref_slice %arg11[%mul3A_134, %dma_wait3A_141] : memref<10112x64xbf16, #tpu.memory_space<vmem_shared>> -> memref<200x64xbf16, #tpu.memory_space<vmem_shared>>
        tpu.wait_dma2 semaphore(%run_scoped3A : memref<!tpu.dma_semaphore, #tpu.memory_space<semaphore_mem>>) src(%dma_wait3A_142 : memref<200x64xbf16, #tpu.memory_space<vmem_shared>>) dst(%arg10 : memref<200x64xbf16, #tpu.memory_space<vmem>>)
        tpu.yield
      }) : () -> ()
      %mul3A_135 = arith.constant 200 : i32
      %mul3A_136 = arith.muli %add3A_109, %mul3A_135 : i32
      "tpu.region"() ({
        %run_scoped3A = tpu.sem_alloc : memref<!tpu.dma_semaphore, #tpu.memory_space<semaphore_mem>>
        %dma_start3A = arith.constant 0 : i32
        %dma_start3A_137 = arith.constant 0 : i32
        %dma_start3A_138 = tpu.memref_slice %arg5[%arg0, %dma_start3A, %dma_start3A_137] : memref<2x10000x64xbf16, #tpu.memory_space<hbm>> -> memref<1x10000x64xbf16, #tpu.memory_space<hbm>>
        %dma_start3A_139 = tpu.memref_squeeze %dma_start3A_138 : memref<1x10000x64xbf16, #tpu.memory_space<hbm>> -> memref<10000x64xbf16, #tpu.memory_space<hbm>>
        %dma_start3A_140 = arith.constant 0 : i32
        %dma_start3A_141 = tpu.memref_slice %dma_start3A_139[%mul3A_136, %dma_start3A_140] : memref<10000x64xbf16, #tpu.memory_space<hbm>> -> memref<200x64xbf16, #tpu.memory_space<hbm>>
        %dma_start3A_142 = arith.constant 0 : i32
        %dma_start3A_143 = arith.constant 0 : i32
        %dma_start3A_144 = tpu.memref_slice %arg5[%arg0, %dma_start3A_142, %dma_start3A_143] : memref<2x10000x64xbf16, #tpu.memory_space<hbm>> -> memref<1x10000x64xbf16, #tpu.memory_space<hbm>>
        %dma_start3A_145 = tpu.memref_squeeze %dma_start3A_144 : memref<1x10000x64xbf16, #tpu.memory_space<hbm>> -> memref<10000x64xbf16, #tpu.memory_space<hbm>>
        %dma_start3A_146 = arith.constant 0 : i32
        %dma_start3A_147 = tpu.memref_slice %dma_start3A_145[%mul3A_136, %dma_start3A_146] : memref<10000x64xbf16, #tpu.memory_space<hbm>> -> memref<200x64xbf16, #tpu.memory_space<hbm>>
        tpu.enqueue_dma source(%arg10 : memref<200x64xbf16, #tpu.memory_space<vmem>>) target(%dma_start3A_147 : memref<200x64xbf16, #tpu.memory_space<hbm>>) target_semaphore(%run_scoped3A : memref<!tpu.dma_semaphore, #tpu.memory_space<semaphore_mem>>)
        %dma_wait3A = arith.constant 0 : i32
        %dma_wait3A_148 = arith.constant 0 : i32
        %dma_wait3A_149 = tpu.memref_slice %arg5[%arg0, %dma_wait3A, %dma_wait3A_148] : memref<2x10000x64xbf16, #tpu.memory_space<hbm>> -> memref<1x10000x64xbf16, #tpu.memory_space<hbm>>
        %dma_wait3A_150 = tpu.memref_squeeze %dma_wait3A_149 : memref<1x10000x64xbf16, #tpu.memory_space<hbm>> -> memref<10000x64xbf16, #tpu.memory_space<hbm>>
        %dma_wait3A_151 = arith.constant 0 : i32
        %dma_wait3A_152 = tpu.memref_slice %dma_wait3A_150[%mul3A_136, %dma_wait3A_151] : memref<10000x64xbf16, #tpu.memory_space<hbm>> -> memref<200x64xbf16, #tpu.memory_space<hbm>>
        %dma_wait3A_153 = arith.constant 0 : i32
        %dma_wait3A_154 = arith.constant 0 : i32
        %dma_wait3A_155 = tpu.memref_slice %arg5[%arg0, %dma_wait3A_153, %dma_wait3A_154] : memref<2x10000x64xbf16, #tpu.memory_space<hbm>> -> memref<1x10000x64xbf16, #tpu.memory_space<hbm>>
        %dma_wait3A_156 = tpu.memref_squeeze %dma_wait3A_155 : memref<1x10000x64xbf16, #tpu.memory_space<hbm>> -> memref<10000x64xbf16, #tpu.memory_space<hbm>>
        %dma_wait3A_157 = arith.constant 0 : i32
        %dma_wait3A_158 = tpu.memref_slice %dma_wait3A_156[%mul3A_136, %dma_wait3A_157] : memref<10000x64xbf16, #tpu.memory_space<hbm>> -> memref<200x64xbf16, #tpu.memory_space<hbm>>
        tpu.wait_dma2 semaphore(%run_scoped3A : memref<!tpu.dma_semaphore, #tpu.memory_space<semaphore_mem>>) src(%arg10 : memref<200x64xbf16, #tpu.memory_space<vmem>>) dst(%dma_wait3A_158 : memref<200x64xbf16, #tpu.memory_space<hbm>>)
        tpu.yield
      }) : () -> ()
    } else {
    }
    %add3A_112 = arith.constant 16 : i32
    %add3A_113 = arith.addi %arg1, %add3A_112 : i32
    %lt3A_114 = arith.constant 50 : i32
    %lt3A_115 = arith.cmpi slt, %add3A_113, %lt3A_114 : i32
    %convert_element_type3A_116 = arith.extui %lt3A_115 : i1 to i32
    %cond3A_117 = arith.constant 0 : i32
    %cond3A_118 = arith.cmpi ne, %convert_element_type3A_116, %cond3A_117 : i32
    scf.if %cond3A_118 {
      %mul3A_133 = arith.constant 200 : i32
      %mul3A_134 = arith.muli %add3A_113, %mul3A_133 : i32
      "tpu.region"() ({
        %run_scoped3A = tpu.sem_alloc : memref<!tpu.dma_semaphore, #tpu.memory_space<semaphore_mem>>
        %dma_start3A = arith.constant 0 : i32
        %dma_start3A_137 = tpu.memref_slice %arg11[%mul3A_134, %dma_start3A] : memref<10112x64xbf16, #tpu.memory_space<vmem_shared>> -> memref<200x64xbf16, #tpu.memory_space<vmem_shared>>
        %dma_start3A_138 = arith.constant 0 : i32
        %dma_start3A_139 = tpu.memref_slice %arg11[%mul3A_134, %dma_start3A_138] : memref<10112x64xbf16, #tpu.memory_space<vmem_shared>> -> memref<200x64xbf16, #tpu.memory_space<vmem_shared>>
        tpu.enqueue_dma source(%dma_start3A_139 : memref<200x64xbf16, #tpu.memory_space<vmem_shared>>) target(%arg10 : memref<200x64xbf16, #tpu.memory_space<vmem>>) target_semaphore(%run_scoped3A : memref<!tpu.dma_semaphore, #tpu.memory_space<semaphore_mem>>)
        %dma_wait3A = arith.constant 0 : i32
        %dma_wait3A_140 = tpu.memref_slice %arg11[%mul3A_134, %dma_wait3A] : memref<10112x64xbf16, #tpu.memory_space<vmem_shared>> -> memref<200x64xbf16, #tpu.memory_space<vmem_shared>>
        %dma_wait3A_141 = arith.constant 0 : i32
        %dma_wait3A_142 = tpu.memref_slice %arg11[%mul3A_134, %dma_wait3A_141] : memref<10112x64xbf16, #tpu.memory_space<vmem_shared>> -> memref<200x64xbf16, #tpu.memory_space<vmem_shared>>
        tpu.wait_dma2 semaphore(%run_scoped3A : memref<!tpu.dma_semaphore, #tpu.memory_space<semaphore_mem>>) src(%dma_wait3A_142 : memref<200x64xbf16, #tpu.memory_space<vmem_shared>>) dst(%arg10 : memref<200x64xbf16, #tpu.memory_space<vmem>>)
        tpu.yield
      }) : () -> ()
      %mul3A_135 = arith.constant 200 : i32
      %mul3A_136 = arith.muli %add3A_113, %mul3A_135 : i32
      "tpu.region"() ({
        %run_scoped3A = tpu.sem_alloc : memref<!tpu.dma_semaphore, #tpu.memory_space<semaphore_mem>>
        %dma_start3A = arith.constant 0 : i32
        %dma_start3A_137 = arith.constant 0 : i32
        %dma_start3A_138 = tpu.memref_slice %arg5[%arg0, %dma_start3A, %dma_start3A_137] : memref<2x10000x64xbf16, #tpu.memory_space<hbm>> -> memref<1x10000x64xbf16, #tpu.memory_space<hbm>>
        %dma_start3A_139 = tpu.memref_squeeze %dma_start3A_138 : memref<1x10000x64xbf16, #tpu.memory_space<hbm>> -> memref<10000x64xbf16, #tpu.memory_space<hbm>>
        %dma_start3A_140 = arith.constant 0 : i32
        %dma_start3A_141 = tpu.memref_slice %dma_start3A_139[%mul3A_136, %dma_start3A_140] : memref<10000x64xbf16, #tpu.memory_space<hbm>> -> memref<200x64xbf16, #tpu.memory_space<hbm>>
        %dma_start3A_142 = arith.constant 0 : i32
        %dma_start3A_143 = arith.constant 0 : i32
        %dma_start3A_144 = tpu.memref_slice %arg5[%arg0, %dma_start3A_142, %dma_start3A_143] : memref<2x10000x64xbf16, #tpu.memory_space<hbm>> -> memref<1x10000x64xbf16, #tpu.memory_space<hbm>>
        %dma_start3A_145 = tpu.memref_squeeze %dma_start3A_144 : memref<1x10000x64xbf16, #tpu.memory_space<hbm>> -> memref<10000x64xbf16, #tpu.memory_space<hbm>>
        %dma_start3A_146 = arith.constant 0 : i32
        %dma_start3A_147 = tpu.memref_slice %dma_start3A_145[%mul3A_136, %dma_start3A_146] : memref<10000x64xbf16, #tpu.memory_space<hbm>> -> memref<200x64xbf16, #tpu.memory_space<hbm>>
        tpu.enqueue_dma source(%arg10 : memref<200x64xbf16, #tpu.memory_space<vmem>>) target(%dma_start3A_147 : memref<200x64xbf16, #tpu.memory_space<hbm>>) target_semaphore(%run_scoped3A : memref<!tpu.dma_semaphore, #tpu.memory_space<semaphore_mem>>)
        %dma_wait3A = arith.constant 0 : i32
        %dma_wait3A_148 = arith.constant 0 : i32
        %dma_wait3A_149 = tpu.memref_slice %arg5[%arg0, %dma_wait3A, %dma_wait3A_148] : memref<2x10000x64xbf16, #tpu.memory_space<hbm>> -> memref<1x10000x64xbf16, #tpu.memory_space<hbm>>
        %dma_wait3A_150 = tpu.memref_squeeze %dma_wait3A_149 : memref<1x10000x64xbf16, #tpu.memory_space<hbm>> -> memref<10000x64xbf16, #tpu.memory_space<hbm>>
        %dma_wait3A_151 = arith.constant 0 : i32
        %dma_wait3A_152 = tpu.memref_slice %dma_wait3A_150[%mul3A_136, %dma_wait3A_151] : memref<10000x64xbf16, #tpu.memory_space<hbm>> -> memref<200x64xbf16, #tpu.memory_space<hbm>>
        %dma_wait3A_153 = arith.constant 0 : i32
        %dma_wait3A_154 = arith.constant 0 : i32
        %dma_wait3A_155 = tpu.memref_slice %arg5[%arg0, %dma_wait3A_153, %dma_wait3A_154] : memref<2x10000x64xbf16, #tpu.memory_space<hbm>> -> memref<1x10000x64xbf16, #tpu.memory_space<hbm>>
        %dma_wait3A_156 = tpu.memref_squeeze %dma_wait3A_155 : memref<1x10000x64xbf16, #tpu.memory_space<hbm>> -> memref<10000x64xbf16, #tpu.memory_space<hbm>>
        %dma_wait3A_157 = arith.constant 0 : i32
        %dma_wait3A_158 = tpu.memref_slice %dma_wait3A_156[%mul3A_136, %dma_wait3A_157] : memref<10000x64xbf16, #tpu.memory_space<hbm>> -> memref<200x64xbf16, #tpu.memory_space<hbm>>
        tpu.wait_dma2 semaphore(%run_scoped3A : memref<!tpu.dma_semaphore, #tpu.memory_space<semaphore_mem>>) src(%arg10 : memref<200x64xbf16, #tpu.memory_space<vmem>>) dst(%dma_wait3A_158 : memref<200x64xbf16, #tpu.memory_space<hbm>>)
        tpu.yield
      }) : () -> ()
    } else {
    }
    %add3A_119 = arith.constant 32 : i32
    %add3A_120 = arith.addi %arg1, %add3A_119 : i32
    %lt3A_121 = arith.constant 50 : i32
    %lt3A_122 = arith.cmpi slt, %add3A_120, %lt3A_121 : i32
    %convert_element_type3A_123 = arith.extui %lt3A_122 : i1 to i32
    %cond3A_124 = arith.constant 0 : i32
    %cond3A_125 = arith.cmpi ne, %convert_element_type3A_123, %cond3A_124 : i32
    scf.if %cond3A_125 {
      %mul3A_133 = arith.constant 200 : i32
      %mul3A_134 = arith.muli %add3A_120, %mul3A_133 : i32
      "tpu.region"() ({
        %run_scoped3A = tpu.sem_alloc : memref<!tpu.dma_semaphore, #tpu.memory_space<semaphore_mem>>
        %dma_start3A = arith.constant 0 : i32
        %dma_start3A_137 = tpu.memref_slice %arg11[%mul3A_134, %dma_start3A] : memref<10112x64xbf16, #tpu.memory_space<vmem_shared>> -> memref<200x64xbf16, #tpu.memory_space<vmem_shared>>
        %dma_start3A_138 = arith.constant 0 : i32
        %dma_start3A_139 = tpu.memref_slice %arg11[%mul3A_134, %dma_start3A_138] : memref<10112x64xbf16, #tpu.memory_space<vmem_shared>> -> memref<200x64xbf16, #tpu.memory_space<vmem_shared>>
        tpu.enqueue_dma source(%dma_start3A_139 : memref<200x64xbf16, #tpu.memory_space<vmem_shared>>) target(%arg10 : memref<200x64xbf16, #tpu.memory_space<vmem>>) target_semaphore(%run_scoped3A : memref<!tpu.dma_semaphore, #tpu.memory_space<semaphore_mem>>)
        %dma_wait3A = arith.constant 0 : i32
        %dma_wait3A_140 = tpu.memref_slice %arg11[%mul3A_134, %dma_wait3A] : memref<10112x64xbf16, #tpu.memory_space<vmem_shared>> -> memref<200x64xbf16, #tpu.memory_space<vmem_shared>>
        %dma_wait3A_141 = arith.constant 0 : i32
        %dma_wait3A_142 = tpu.memref_slice %arg11[%mul3A_134, %dma_wait3A_141] : memref<10112x64xbf16, #tpu.memory_space<vmem_shared>> -> memref<200x64xbf16, #tpu.memory_space<vmem_shared>>
        tpu.wait_dma2 semaphore(%run_scoped3A : memref<!tpu.dma_semaphore, #tpu.memory_space<semaphore_mem>>) src(%dma_wait3A_142 : memref<200x64xbf16, #tpu.memory_space<vmem_shared>>) dst(%arg10 : memref<200x64xbf16, #tpu.memory_space<vmem>>)
        tpu.yield
      }) : () -> ()
      %mul3A_135 = arith.constant 200 : i32
      %mul3A_136 = arith.muli %add3A_120, %mul3A_135 : i32
      "tpu.region"() ({
        %run_scoped3A = tpu.sem_alloc : memref<!tpu.dma_semaphore, #tpu.memory_space<semaphore_mem>>
        %dma_start3A = arith.constant 0 : i32
        %dma_start3A_137 = arith.constant 0 : i32
        %dma_start3A_138 = tpu.memref_slice %arg5[%arg0, %dma_start3A, %dma_start3A_137] : memref<2x10000x64xbf16, #tpu.memory_space<hbm>> -> memref<1x10000x64xbf16, #tpu.memory_space<hbm>>
        %dma_start3A_139 = tpu.memref_squeeze %dma_start3A_138 : memref<1x10000x64xbf16, #tpu.memory_space<hbm>> -> memref<10000x64xbf16, #tpu.memory_space<hbm>>
        %dma_start3A_140 = arith.constant 0 : i32
        %dma_start3A_141 = tpu.memref_slice %dma_start3A_139[%mul3A_136, %dma_start3A_140] : memref<10000x64xbf16, #tpu.memory_space<hbm>> -> memref<200x64xbf16, #tpu.memory_space<hbm>>
        %dma_start3A_142 = arith.constant 0 : i32
        %dma_start3A_143 = arith.constant 0 : i32
        %dma_start3A_144 = tpu.memref_slice %arg5[%arg0, %dma_start3A_142, %dma_start3A_143] : memref<2x10000x64xbf16, #tpu.memory_space<hbm>> -> memref<1x10000x64xbf16, #tpu.memory_space<hbm>>
        %dma_start3A_145 = tpu.memref_squeeze %dma_start3A_144 : memref<1x10000x64xbf16, #tpu.memory_space<hbm>> -> memref<10000x64xbf16, #tpu.memory_space<hbm>>
        %dma_start3A_146 = arith.constant 0 : i32
        %dma_start3A_147 = tpu.memref_slice %dma_start3A_145[%mul3A_136, %dma_start3A_146] : memref<10000x64xbf16, #tpu.memory_space<hbm>> -> memref<200x64xbf16, #tpu.memory_space<hbm>>
        tpu.enqueue_dma source(%arg10 : memref<200x64xbf16, #tpu.memory_space<vmem>>) target(%dma_start3A_147 : memref<200x64xbf16, #tpu.memory_space<hbm>>) target_semaphore(%run_scoped3A : memref<!tpu.dma_semaphore, #tpu.memory_space<semaphore_mem>>)
        %dma_wait3A = arith.constant 0 : i32
        %dma_wait3A_148 = arith.constant 0 : i32
        %dma_wait3A_149 = tpu.memref_slice %arg5[%arg0, %dma_wait3A, %dma_wait3A_148] : memref<2x10000x64xbf16, #tpu.memory_space<hbm>> -> memref<1x10000x64xbf16, #tpu.memory_space<hbm>>
        %dma_wait3A_150 = tpu.memref_squeeze %dma_wait3A_149 : memref<1x10000x64xbf16, #tpu.memory_space<hbm>> -> memref<10000x64xbf16, #tpu.memory_space<hbm>>
        %dma_wait3A_151 = arith.constant 0 : i32
        %dma_wait3A_152 = tpu.memref_slice %dma_wait3A_150[%mul3A_136, %dma_wait3A_151] : memref<10000x64xbf16, #tpu.memory_space<hbm>> -> memref<200x64xbf16, #tpu.memory_space<hbm>>
        %dma_wait3A_153 = arith.constant 0 : i32
        %dma_wait3A_154 = arith.constant 0 : i32
        %dma_wait3A_155 = tpu.memref_slice %arg5[%arg0, %dma_wait3A_153, %dma_wait3A_154] : memref<2x10000x64xbf16, #tpu.memory_space<hbm>> -> memref<1x10000x64xbf16, #tpu.memory_space<hbm>>
        %dma_wait3A_156 = tpu.memref_squeeze %dma_wait3A_155 : memref<1x10000x64xbf16, #tpu.memory_space<hbm>> -> memref<10000x64xbf16, #tpu.memory_space<hbm>>
        %dma_wait3A_157 = arith.constant 0 : i32
        %dma_wait3A_158 = tpu.memref_slice %dma_wait3A_156[%mul3A_136, %dma_wait3A_157] : memref<10000x64xbf16, #tpu.memory_space<hbm>> -> memref<200x64xbf16, #tpu.memory_space<hbm>>
        tpu.wait_dma2 semaphore(%run_scoped3A : memref<!tpu.dma_semaphore, #tpu.memory_space<semaphore_mem>>) src(%arg10 : memref<200x64xbf16, #tpu.memory_space<vmem>>) dst(%dma_wait3A_158 : memref<200x64xbf16, #tpu.memory_space<hbm>>)
        tpu.yield
      }) : () -> ()
    } else {
    }
    %add3A_126 = arith.constant 48 : i32
    %add3A_127 = arith.addi %arg1, %add3A_126 : i32
    %lt3A_128 = arith.constant 50 : i32
    %lt3A_129 = arith.cmpi slt, %add3A_127, %lt3A_128 : i32
    %convert_element_type3A_130 = arith.extui %lt3A_129 : i1 to i32
    %cond3A_131 = arith.constant 0 : i32
    %cond3A_132 = arith.cmpi ne, %convert_element_type3A_130, %cond3A_131 : i32
    scf.if %cond3A_132 {
      %mul3A_133 = arith.constant 200 : i32
      %mul3A_134 = arith.muli %add3A_127, %mul3A_133 : i32
      "tpu.region"() ({
        %run_scoped3A = tpu.sem_alloc : memref<!tpu.dma_semaphore, #tpu.memory_space<semaphore_mem>>
        %dma_start3A = arith.constant 0 : i32
        %dma_start3A_137 = tpu.memref_slice %arg11[%mul3A_134, %dma_start3A] : memref<10112x64xbf16, #tpu.memory_space<vmem_shared>> -> memref<200x64xbf16, #tpu.memory_space<vmem_shared>>
        %dma_start3A_138 = arith.constant 0 : i32
        %dma_start3A_139 = tpu.memref_slice %arg11[%mul3A_134, %dma_start3A_138] : memref<10112x64xbf16, #tpu.memory_space<vmem_shared>> -> memref<200x64xbf16, #tpu.memory_space<vmem_shared>>
        tpu.enqueue_dma source(%dma_start3A_139 : memref<200x64xbf16, #tpu.memory_space<vmem_shared>>) target(%arg10 : memref<200x64xbf16, #tpu.memory_space<vmem>>) target_semaphore(%run_scoped3A : memref<!tpu.dma_semaphore, #tpu.memory_space<semaphore_mem>>)
        %dma_wait3A = arith.constant 0 : i32
        %dma_wait3A_140 = tpu.memref_slice %arg11[%mul3A_134, %dma_wait3A] : memref<10112x64xbf16, #tpu.memory_space<vmem_shared>> -> memref<200x64xbf16, #tpu.memory_space<vmem_shared>>
        %dma_wait3A_141 = arith.constant 0 : i32
        %dma_wait3A_142 = tpu.memref_slice %arg11[%mul3A_134, %dma_wait3A_141] : memref<10112x64xbf16, #tpu.memory_space<vmem_shared>> -> memref<200x64xbf16, #tpu.memory_space<vmem_shared>>
        tpu.wait_dma2 semaphore(%run_scoped3A : memref<!tpu.dma_semaphore, #tpu.memory_space<semaphore_mem>>) src(%dma_wait3A_142 : memref<200x64xbf16, #tpu.memory_space<vmem_shared>>) dst(%arg10 : memref<200x64xbf16, #tpu.memory_space<vmem>>)
        tpu.yield
      }) : () -> ()
      %mul3A_135 = arith.constant 200 : i32
      %mul3A_136 = arith.muli %add3A_127, %mul3A_135 : i32
      "tpu.region"() ({
        %run_scoped3A = tpu.sem_alloc : memref<!tpu.dma_semaphore, #tpu.memory_space<semaphore_mem>>
        %dma_start3A = arith.constant 0 : i32
        %dma_start3A_137 = arith.constant 0 : i32
        %dma_start3A_138 = tpu.memref_slice %arg5[%arg0, %dma_start3A, %dma_start3A_137] : memref<2x10000x64xbf16, #tpu.memory_space<hbm>> -> memref<1x10000x64xbf16, #tpu.memory_space<hbm>>
        %dma_start3A_139 = tpu.memref_squeeze %dma_start3A_138 : memref<1x10000x64xbf16, #tpu.memory_space<hbm>> -> memref<10000x64xbf16, #tpu.memory_space<hbm>>
        %dma_start3A_140 = arith.constant 0 : i32
        %dma_start3A_141 = tpu.memref_slice %dma_start3A_139[%mul3A_136, %dma_start3A_140] : memref<10000x64xbf16, #tpu.memory_space<hbm>> -> memref<200x64xbf16, #tpu.memory_space<hbm>>
        %dma_start3A_142 = arith.constant 0 : i32
        %dma_start3A_143 = arith.constant 0 : i32
        %dma_start3A_144 = tpu.memref_slice %arg5[%arg0, %dma_start3A_142, %dma_start3A_143] : memref<2x10000x64xbf16, #tpu.memory_space<hbm>> -> memref<1x10000x64xbf16, #tpu.memory_space<hbm>>
        %dma_start3A_145 = tpu.memref_squeeze %dma_start3A_144 : memref<1x10000x64xbf16, #tpu.memory_space<hbm>> -> memref<10000x64xbf16, #tpu.memory_space<hbm>>
        %dma_start3A_146 = arith.constant 0 : i32
        %dma_start3A_147 = tpu.memref_slice %dma_start3A_145[%mul3A_136, %dma_start3A_146] : memref<10000x64xbf16, #tpu.memory_space<hbm>> -> memref<200x64xbf16, #tpu.memory_space<hbm>>
        tpu.enqueue_dma source(%arg10 : memref<200x64xbf16, #tpu.memory_space<vmem>>) target(%dma_start3A_147 : memref<200x64xbf16, #tpu.memory_space<hbm>>) target_semaphore(%run_scoped3A : memref<!tpu.dma_semaphore, #tpu.memory_space<semaphore_mem>>)
        %dma_wait3A = arith.constant 0 : i32
        %dma_wait3A_148 = arith.constant 0 : i32
        %dma_wait3A_149 = tpu.memref_slice %arg5[%arg0, %dma_wait3A, %dma_wait3A_148] : memref<2x10000x64xbf16, #tpu.memory_space<hbm>> -> memref<1x10000x64xbf16, #tpu.memory_space<hbm>>
        %dma_wait3A_150 = tpu.memref_squeeze %dma_wait3A_149 : memref<1x10000x64xbf16, #tpu.memory_space<hbm>> -> memref<10000x64xbf16, #tpu.memory_space<hbm>>
        %dma_wait3A_151 = arith.constant 0 : i32
        %dma_wait3A_152 = tpu.memref_slice %dma_wait3A_150[%mul3A_136, %dma_wait3A_151] : memref<10000x64xbf16, #tpu.memory_space<hbm>> -> memref<200x64xbf16, #tpu.memory_space<hbm>>
        %dma_wait3A_153 = arith.constant 0 : i32
        %dma_wait3A_154 = arith.constant 0 : i32
        %dma_wait3A_155 = tpu.memref_slice %arg5[%arg0, %dma_wait3A_153, %dma_wait3A_154] : memref<2x10000x64xbf16, #tpu.memory_space<hbm>> -> memref<1x10000x64xbf16, #tpu.memory_space<hbm>>
        %dma_wait3A_156 = tpu.memref_squeeze %dma_wait3A_155 : memref<1x10000x64xbf16, #tpu.memory_space<hbm>> -> memref<10000x64xbf16, #tpu.memory_space<hbm>>
        %dma_wait3A_157 = arith.constant 0 : i32
        %dma_wait3A_158 = tpu.memref_slice %dma_wait3A_156[%mul3A_136, %dma_wait3A_157] : memref<10000x64xbf16, #tpu.memory_space<hbm>> -> memref<200x64xbf16, #tpu.memory_space<hbm>>
        tpu.wait_dma2 semaphore(%run_scoped3A : memref<!tpu.dma_semaphore, #tpu.memory_space<semaphore_mem>>) src(%arg10 : memref<200x64xbf16, #tpu.memory_space<vmem>>) dst(%dma_wait3A_158 : memref<200x64xbf16, #tpu.memory_space<hbm>>)
        tpu.yield
      }) : () -> ()
    } else {
    }
    return
  }
}

module attributes {stable_mosaic.version = 14 : i64} {
  func.func @_stage_a_body(%arg0: i32, %arg1: memref<2000x128xf32, #tpu.memory_space<vmem>>, %arg2: memref<128x128xf32, #tpu.memory_space<vmem>>, %arg3: memref<2000x1xf32, #tpu.memory_space<vmem>>, %arg4: memref<2x2000x64xbf16, #tpu.memory_space<vmem>>) attributes {dimension_semantics = [#tpu.dimension_semantics<arbitrary>], iteration_bounds = array<i64: 5>, scalar_prefetch = 0 : i64, scratch_operands = 0 : i64, tpu.core_type = #tpu.core_type<tc>, window_params = [{transform_indices = @transform_0, window_bounds = array<i64: 2000, 128>}, {pipeline_mode = #tpu.pipeline_mode<synchronous>, transform_indices = @transform_1, window_bounds = array<i64: 128, 128>}, {transform_indices = @transform_2, window_bounds = array<i64: 2000, 1>}, {transform_indices = @transform_3, window_bounds = array<i64: 2, 2000, 64>}]} {
    %get3A = arith.constant 0 : index
    %get3A_0 = arith.constant 0 : index
    %get3A_1 = vector.load %arg1[%get3A, %get3A_0] : memref<2000x128xf32, #tpu.memory_space<vmem>>, vector<2000x128xf32>
    %get3A_2 = arith.constant 0 : index
    %get3A_3 = arith.constant 0 : index
    %get3A_4 = vector.load %arg2[%get3A_2, %get3A_3] : memref<128x128xf32, #tpu.memory_space<vmem>>, vector<128x128xf32>
    %dot_general3A = arith.constant dense<0.000000e+00> : vector<2000x128xf32>
    %dot_general3A_5 = tpu.matmul %get3A_1, %get3A_4, %dot_general3A {dimension_numbers = #tpu.dot_dimension_numbers<[1], [1], [0], [0], [0, 0, 1, 0], [], []>, transpose_lhs_hint = false} : vector<2000x128xf32>, vector<128x128xf32>, vector<2000x128xf32> -> vector<2000x128xf32>
    %get3A_6 = arith.constant 0 : index
    %get3A_7 = arith.constant 0 : index
    %get3A_8 = vector.load %arg3[%get3A_6, %get3A_7] : memref<2000x1xf32, #tpu.memory_space<vmem>>, vector<2000x1xf32>
    %rsqrt3A = math.rsqrt %get3A_8 : vector<2000x1xf32>
    %mul3A = vector.broadcast %rsqrt3A : vector<2000x1xf32> to vector<2000x128xf32>
    %mul3A_9 = arith.mulf %dot_general3A_5, %mul3A : vector<2000x128xf32>
    %convert_element_type3A = arith.truncf %mul3A_9 : vector<2000x128xf32> to vector<2000x128xbf16>
    %slice3A = vector.extract_strided_slice %convert_element_type3A {offsets = [0, 0], sizes = [2000, 64], strides = [1, 1]} : vector<2000x128xbf16> to vector<2000x64xbf16>
    %swap3A = arith.constant 0 : index
    %swap3A_10 = arith.constant 0 : index
    %swap3A_11 = arith.constant 0 : index
    %swap3A_12 = vector.load %arg4[%swap3A, %swap3A_10, %swap3A_11] : memref<2x2000x64xbf16, #tpu.memory_space<vmem>>, vector<1x2000x64xbf16>
    %swap3A_13 = vector.shape_cast %swap3A_12 : vector<1x2000x64xbf16> to vector<2000x64xbf16>
    %swap3A_14 = vector.shape_cast %slice3A : vector<2000x64xbf16> to vector<1x2000x64xbf16>
    tpu.vector_store %arg4[%swap3A, %swap3A_10, %swap3A_11], %swap3A_14 {strides = array<i32>} : memref<2x2000x64xbf16, #tpu.memory_space<vmem>>, vector<1x2000x64xbf16>,
    %slice3A_15 = vector.extract_strided_slice %convert_element_type3A {offsets = [0, 64], sizes = [2000, 64], strides = [1, 1]} : vector<2000x128xbf16> to vector<2000x64xbf16>
    %swap3A_16 = arith.constant 1 : index
    %swap3A_17 = arith.constant 0 : index
    %swap3A_18 = arith.constant 0 : index
    %swap3A_19 = vector.load %arg4[%swap3A_16, %swap3A_17, %swap3A_18] : memref<2x2000x64xbf16, #tpu.memory_space<vmem>>, vector<1x2000x64xbf16>
    %swap3A_20 = vector.shape_cast %swap3A_19 : vector<1x2000x64xbf16> to vector<2000x64xbf16>
    %swap3A_21 = vector.shape_cast %slice3A_15 : vector<2000x64xbf16> to vector<1x2000x64xbf16>
    tpu.vector_store %arg4[%swap3A_16, %swap3A_17, %swap3A_18], %swap3A_21 {strides = array<i32>} : memref<2x2000x64xbf16, #tpu.memory_space<vmem>>, vector<1x2000x64xbf16>,
    return
  }
  func.func @transform_0(%arg0: i32) -> (i32, i32) {
    %c0_i32 = arith.constant 0 : i32
    %c0_i32_0 = arith.constant 0 : i32
    return %arg0, %c0_i32 : i32, i32
  }
  func.func @transform_1(%arg0: i32) -> (i32, i32) {
    %c0_i32 = arith.constant 0 : i32
    %c0_i32_0 = arith.constant 0 : i32
    %c0_i32_1 = arith.constant 0 : i32
    return %c0_i32, %c0_i32_0 : i32, i32
  }
  func.func @transform_2(%arg0: i32) -> (i32, i32) {
    %c0_i32 = arith.constant 0 : i32
    %c0_i32_0 = arith.constant 0 : i32
    return %arg0, %c0_i32 : i32, i32
  }
  func.func @transform_3(%arg0: i32) -> (i32, i32, i32) {
    %c0_i32 = arith.constant 0 : i32
    %c0_i32_0 = arith.constant 0 : i32
    %c0_i32_1 = arith.constant 0 : i32
    return %c0_i32, %arg0, %c0_i32_0 : i32, i32, i32
  }
}

module attributes {stable_mosaic.version = 14 : i64} {
  func.func @_stage_b_body(%arg0: i32, %arg1: memref<2x2000x64xbf16, #tpu.memory_space<vmem>>, %arg2: memref<2000x1xf32, #tpu.memory_space<vmem>>, %arg3: memref<1x128xf32, #tpu.memory_space<vmem>>, %arg4: memref<2000x128xf32, #tpu.memory_space<vmem>>) attributes {dimension_semantics = [#tpu.dimension_semantics<arbitrary>], iteration_bounds = array<i64: 5>, scalar_prefetch = 0 : i64, scratch_operands = 0 : i64, tpu.core_type = #tpu.core_type<tc>, window_params = [{transform_indices = @transform_0, window_bounds = array<i64: 2, 2000, 64>}, {transform_indices = @transform_1, window_bounds = array<i64: 2000, 1>}, {pipeline_mode = #tpu.pipeline_mode<synchronous>, transform_indices = @transform_2, window_bounds = array<i64: 1, 128>}, {transform_indices = @transform_3, window_bounds = array<i64: 2000, 128>}]} {
    %get3A = arith.constant 0 : index
    %get3A_0 = arith.constant 0 : index
    %get3A_1 = vector.load %arg2[%get3A, %get3A_0] : memref<2000x1xf32, #tpu.memory_space<vmem>>, vector<2000x1xf32>
    %rsqrt3A = math.rsqrt %get3A_1 : vector<2000x1xf32>
    %get3A_2 = arith.constant 0 : index
    %get3A_3 = arith.constant 0 : index
    %get3A_4 = arith.constant 0 : index
    %get3A_5 = vector.load %arg1[%get3A_2, %get3A_3, %get3A_4] : memref<2x2000x64xbf16, #tpu.memory_space<vmem>>, vector<1x2000x64xbf16>
    %get3A_6 = vector.shape_cast %get3A_5 : vector<1x2000x64xbf16> to vector<2000x64xbf16>
    %convert_element_type3A = arith.extf %get3A_6 : vector<2000x64xbf16> to vector<2000x64xf32>
    %mul3A = vector.broadcast %rsqrt3A : vector<2000x1xf32> to vector<2000x64xf32>
    %mul3A_7 = arith.mulf %convert_element_type3A, %mul3A : vector<2000x64xf32>
    %get3A_8 = arith.constant 0 : index
    %get3A_9 = arith.constant 0 : index
    %get3A_10 = vector.load %arg3[%get3A_8, %get3A_9] : memref<1x128xf32, #tpu.memory_space<vmem>>, vector<1x64xf32>
    %add3A = vector.broadcast %get3A_10 : vector<1x64xf32> to vector<2000x64xf32>
    %add3A_11 = arith.addf %mul3A_7, %add3A : vector<2000x64xf32>
    %swap3A = arith.constant 0 : index
    %swap3A_12 = arith.constant 0 : index
    %swap3A_13 = vector.load %arg4[%swap3A, %swap3A_12] : memref<2000x128xf32, #tpu.memory_space<vmem>>, vector<2000x64xf32>
    tpu.vector_store %arg4[%swap3A, %swap3A_12], %add3A_11 {strides = array<i32>} : memref<2000x128xf32, #tpu.memory_space<vmem>>, vector<2000x64xf32>,
    %get3A_14 = arith.constant 1 : index
    %get3A_15 = arith.constant 0 : index
    %get3A_16 = arith.constant 0 : index
    %get3A_17 = vector.load %arg1[%get3A_14, %get3A_15, %get3A_16] : memref<2x2000x64xbf16, #tpu.memory_space<vmem>>, vector<1x2000x64xbf16>
    %get3A_18 = vector.shape_cast %get3A_17 : vector<1x2000x64xbf16> to vector<2000x64xbf16>
    %convert_element_type3A_19 = arith.extf %get3A_18 : vector<2000x64xbf16> to vector<2000x64xf32>
    %mul3A_20 = vector.broadcast %rsqrt3A : vector<2000x1xf32> to vector<2000x64xf32>
    %mul3A_21 = arith.mulf %convert_element_type3A_19, %mul3A_20 : vector<2000x64xf32>
    %get3A_22 = arith.constant 0 : index
    %get3A_23 = arith.constant 64 : index
    %get3A_24 = vector.load %arg3[%get3A_22, %get3A_23] : memref<1x128xf32, #tpu.memory_space<vmem>>, vector<1x64xf32>
    %add3A_25 = vector.broadcast %get3A_24 : vector<1x64xf32> to vector<2000x64xf32>
    %add3A_26 = arith.addf %mul3A_21, %add3A_25 : vector<2000x64xf32>
    %swap3A_27 = arith.constant 0 : index
    %swap3A_28 = arith.constant 64 : index
    %swap3A_29 = vector.load %arg4[%swap3A_27, %swap3A_28] : memref<2000x128xf32, #tpu.memory_space<vmem>>, vector<2000x64xf32>
    tpu.vector_store %arg4[%swap3A_27, %swap3A_28], %add3A_26 {strides = array<i32>} : memref<2000x128xf32, #tpu.memory_space<vmem>>, vector<2000x64xf32>,
    return
  }
  func.func @transform_0(%arg0: i32) -> (i32, i32, i32) {
    %c0_i32 = arith.constant 0 : i32
    %c0_i32_0 = arith.constant 0 : i32
    %c0_i32_1 = arith.constant 0 : i32
    return %c0_i32, %arg0, %c0_i32_0 : i32, i32, i32
  }
  func.func @transform_1(%arg0: i32) -> (i32, i32) {
    %c0_i32 = arith.constant 0 : i32
    %c0_i32_0 = arith.constant 0 : i32
    return %arg0, %c0_i32 : i32, i32
  }
  func.func @transform_2(%arg0: i32) -> (i32, i32) {
    %c0_i32 = arith.constant 0 : i32
    %c0_i32_0 = arith.constant 0 : i32
    %c0_i32_1 = arith.constant 0 : i32
    return %c0_i32, %c0_i32_0 : i32, i32
  }
  func.func @transform_3(%arg0: i32) -> (i32, i32) {
    %c0_i32 = arith.constant 0 : i32
    %c0_i32_0 = arith.constant 0 : i32
    return %arg0, %c0_i32 : i32, i32
  }
}

</mosaic_0001>

<sc_bundles>
// kernel: kernel.5.cloned.1.call-start
scs
__scs_entry_jumppad:
0x0: {  	(pc) =	sbr.rel $0x88, $3  }
0x1: {  	(tag) =	ssettag $0x0;
	lr =	simm.s32 $0x1  }
0x2: {  	[smem:$0x3F9C] =	sst lr;
	_ =	strace $0xD0000000  }
0x3: {  	_ = 	snop  }
0x4: {  	_ = 	snop  }
0x5: {  	_ = 	snop  }
0x6: {  	_ = 	snop  }
0x7: {  	_ = 	snop  }
__scs_overlays_trampoline_lowered:
0x8: {  	[smem:$0x3FAB] =	sst s0  }
0x9: {  	[smem:$0x3FAC] =	sst s1  }
0xa: {  	[smem:$0x3FAD] =	sst s2  }
0xb: {  	[smem:$0x3FAE] =	sst s3  }
0xc: {  	[smem:$0x3FAF] =	sst s4  }
0xd: {  	[smem:$0x3FB0] =	sst s5  }
0xe: {  	[smem:$0x3FB1] =	sst s6  }
0xf: {  	[smem:$0x3FB2] =	sst s7  }
0x10: {  	[smem:$0x3FB3] =	sst s8  }
0x11: {  	[smem:$0x3FB4] =	sst s9;
	s0 =	simm.s32 @!p0 $0x0  }
0x12: {  	s1 =	sld [smem:$0x3F9A];
	s0 =	simm.s32 @p0 $0x1  }
0x13: {  	[smem:$0x3FB5] =	sst s0;
	s0 =	simm.s32 @!p1 $0x0  }
0x14: {  	s2 =	sld [smem:$0x3F99];
	s0 =	simm.s32 @p1 $0x1  }
0x15: {  	[smem:$0x3FB6] =	sst s0;
	s0 =	simm.s32 @!p2 $0x0  }
0x16: {  	s3 =	sld [smem:$0x3FDB];
	s0 =	simm.s32 @p2 $0x1  }
0x17: {  	s4 =	simm.s32 $0x1BF5;
	[smem:$0x3FB8] =	sst s0  }
0x18: {  	s0 =	sld [smem:$0x3F9B];
	_ =	swait.ge [sflag:s4], $0x0  }
0x19: {  	s7 =	sld [smem:$0x3F9C]  }
0x1a: {  	s8 =	sadd.s32 $0xFFFFE003, lr  }
0x1b: {  	s9 =	sadd.s32 $0xFFFFFEF7, lr;
	s5 =	simm.s32 $0xFFFFFFFF;
	p2 =	slt.u32 s8, $0xFFFFF086  }
0x1c: {  	p1 =	slt.u32 s9, $0xF7A;
	s5 =	simm.s32 @!p2 $0x0  }
0x1d: {  	s5 =	simm.s32 @p1 $0x1;
	p0 =	seq.s32 s7, s2  }
0x1e: {  	s7 =	smul.u32 @!p0 $0xF7A, s2;
	p2 =	seq.s32 @!p0 s5, $0x0  }
0x1f: {  	s9 =	smul.u32 $0xF7A, s1;
	s8 =	simm.s32 @!p0 $0x1BF5;
	p2 =	por !p2, p0  }
0x20: {  	[sflag:s8] =	ssyncset.s32 @!p0 $0xFFFFF086;
	s6 =	sadd.s32 @!p0 s3, s7;
	s7 =	simm.s32 @!p0 $0x108  }
0x21: {  	s3 =	sadd.s32 s3, s9;
	s6 =	sadd.s32 @!p0 $0x88, s6;
	s7 =	simm.s32 @p2 $0x1082  }
0x22: {  	[simem:s7], [sflag:s8] =	dma.local @!p0 [hbm:s6], $0xF7A  }
0x23: {  	s9 =	sor.u32 $0xD0000000, s2;
	s6 =	simm.s32 $0x108;
	_ =	swait.ge @!p0 [sflag:s8], $0x0  }
0x24: {  	s3 =	sadd.s32 $0x88, s3;
	s6 =	simm.s32 @!p1 $0x1082;
	[sflag:s4] =	ssyncset.s32 $0xFFFFF086  }
0x25: {  	[simem:s6], [sflag:s4] =	dma.local [hbm:s3], $0xF7A  }
0x26: {  	[smem:$0x3F9C] =	sst s1;
	(tag) =	ssettag s2;
	_ =	strace s9  }
0x27: {  	s1 =	sld [smem:$0x3FAC]  }
0x28: {  	s2 =	sld [smem:$0x3FAD]  }
0x29: {  	s4 =	sld [smem:$0x3FAF]  }
0x2a: {  	p0 =	seq.s32 s5, $0x0;
	s5 =	sld [smem:$0x3FB0]  }
0x2b: {  	s6 =	sld [smem:$0x3FB1]  }
0x2c: {  	s7 =	sld [smem:$0x3FB2]  }
0x2d: {  	s3 =	simm.s32 $0x108;
	s8 =	sld [smem:$0x3FB3]  }
0x2e: {  	s3 =	simm.s32 @!p0 $0x1082;
	s9 =	sld [smem:$0x3FB4]  }
0x2f: {  	lr =	sadd.s32 s0, s3;
	s0 =	sld [smem:$0x3FAB]  }
0x30: {  	s3 =	sld [smem:$0x3FAE]  }
0x31: {  	[smem:$0x3FB7] =	sst s10  }
0x32: {  	s10 =	sld [smem:$0x3FB5];
	_ =	sdelay $0x3  }
0x33: {  	p0 =	seq.s32 s10, $0x1;
	s10 =	sld [smem:$0x3FB7];
	_ =	sdelay $0x3  }
0x34: {  	[smem:$0x3FB7] =	sst s10  }
0x35: {  	s10 =	sld [smem:$0x3FB6];
	_ =	sdelay $0x3  }
0x36: {  	p1 =	seq.s32 s10, $0x1;
	s10 =	sld [smem:$0x3FB7];
	_ =	sdelay $0x3  }
0x37: {  	[smem:$0x3FB7] =	sst s10  }
0x38: {  	s10 =	sld [smem:$0x3FB8]  }
0x39: {  	_ = 	snop;
	(pc) =	sbr.ind lr, $3  }
0x3a: {  	_ = 	snop  }
0x3b: {  	_ = 	snop  }
0x3c: {  	p2 =	seq.s32 s10, $0x1;
	s10 =	sld [smem:$0x3FB7]  }
0x3d: {  	_ =	shalt  }
0x3e: {  	_ =	shalt  }
0x3f: {  	_ =	shalt  }
0x40: {  	_ =	shalt  }
0x41: {  	_ =	shalt  }
0x42: {  	_ =	shalt  }
0x43: {  	_ =	shalt  }
0x44: {  	_ =	shalt  }
0x45: {  	_ =	shalt  }
0x46: {  	_ =	shalt  }
0x47: {  	_ =	shalt  }
0x48: {  	_ =	shalt  }
0x49: {  	_ =	shalt  }
0x4a: {  	_ =	shalt  }
0x4b: {  	_ =	shalt  }
0x4c: {  	_ =	shalt  }
0x4d: {  	_ =	shalt  }
0x4e: {  	_ =	shalt  }
0x4f: {  	_ =	shalt  }
0x50: {  	_ =	shalt  }
0x51: {  	_ =	shalt  }
0x52: {  	_ =	shalt  }
0x53: {  	_ =	shalt  }
0x54: {  	_ =	shalt  }
0x55: {  	_ =	shalt  }
0x56: {  	_ =	shalt  }
0x57: {  	_ =	shalt  }
0x58: {  	_ =	shalt  }
0x59: {  	_ =	shalt  }
0x5a: {  	_ =	shalt  }
0x5b: {  	_ =	shalt  }
0x5c: {  	_ =	shalt  }
0x5d: {  	_ =	shalt  }
0x5e: {  	_ =	shalt  }
0x5f: {  	_ =	shalt  }
0x60: {  	_ =	shalt  }
0x61: {  	_ =	shalt  }
0x62: {  	_ =	shalt  }
0x63: {  	_ =	shalt  }
0x64: {  	_ =	shalt  }
0x65: {  	_ =	shalt  }
0x66: {  	_ =	shalt  }
0x67: {  	_ =	shalt  }
0x68: {  	_ =	shalt  }
0x69: {  	_ =	shalt  }
0x6a: {  	_ =	shalt  }
0x6b: {  	_ =	shalt  }
0x6c: {  	_ =	shalt  }
0x6d: {  	_ =	shalt  }
0x6e: {  	_ =	shalt  }
0x6f: {  	_ =	shalt  }
0x70: {  	_ =	shalt  }
0x71: {  	_ =	shalt  }
0x72: {  	_ =	shalt  }
0x73: {  	_ =	shalt  }
0x74: {  	_ =	shalt  }
0x75: {  	_ =	shalt  }
0x76: {  	_ =	shalt  }
0x77: {  	_ =	shalt  }
0x78: {  	_ =	shalt  }
0x79: {  	_ =	shalt  }
0x7a: {  	_ =	shalt  }
0x7b: {  	_ =	shalt  }
0x7c: {  	_ =	shalt  }
0x7d: {  	_ =	shalt  }
0x7e: {  	_ =	shalt  }
0x7f: {  	_ =	shalt  }
0x80: {  	_ =	shalt  }
0x81: {  	_ =	shalt  }
0x82: {  	_ =	shalt  }
0x83: {  	_ =	shalt  }
0x84: {  	_ =	shalt  }
0x85: {  	_ =	shalt  }
0x86: {  	_ =	shalt  }
0x87: {  	_ =	shalt  }
.Lfunc_end0:
.L_simem_size_0:
called_computation_lowered:
.L_overlay_start_0:
0x88: {  	s2 =	sld [smem:$0x3FD9]  }
0x89: {  	s3 =	sld [smem:$0x3FFE];
	_ =	sdelay $0x1  }
0x8a: {  	s1 =	srdreg.scid  }
0x8b: {  	s0 =	sand.u32 $0x1, s1  }
0x8c: {  	s17 =	sshll.u32 s0, $0xA;
	s2 =	sadd.s32 s3, s2  }
0x8d: {  	s2 =	sadd.s32 s2, s17  }
0x8e: {  	[smem:$0x3FC3] =	sst s2  }
0x8f: {  	_ = 	snop  }
0x90: {  	s2 =	sld [smem:$0x3FD0];
	(tm) =	ssettm $0x1  }
0x91: {  	s18 =	sld [smem:$0x3FFB];
	_ =	sdelay $0x3  }
0x92: {  	_ =	strace s18  }
0x93: {  	s3 =	sld [smem:$0x3FFC];
	_ =	sdelay $0x3  }
0x94: {  	_ =	strace s3  }
0x95: {  	s3 =	sld [smem:$0x3FFD];
	_ =	sdelay $0x3  }
0x96: {  	_ =	strace s3  }
0x97: {  	_ =	strace $0x8FFFFFFF  }
0x98: {  	s19 =	sld [smem:$0x3FDB];
	_ =	sdelay $0x1  }
0x99: {  	s4 =	simm.s32 $_scs_section_size  }
0x9a: {  	s5 =	simm.s32 $_size__tile_overlayer_lowered;
	s6 =	simm.s32 $_tile_overlayer_lowered  }
0x9b: {  	s22 =	simm.s32 $0x1BFF;
	s21 =	sshll.u32 s6, $0x1;
	s3 =	sadd.s32 s4, s19  }
0x9c: {  	s7 =	simm.s32 $0x0;
	s20 =	sshll.u32 s5, $0x1;
	s5 =	sadd.s32 s21, s3  }
0x9d: {  	[timem:s7], [sflag:s22] =	dma.local [hbm:s5], s20  }
0x9e: {  	_ =	swait.ge [sflag:s22], s20  }
0x9f: {  	s4 =	ssub.s32 $0x0, s20;
	[sflag:s22] =	ssyncset.done $0x0  }
0xa0: {  	[sflag:s22] =	ssyncadd.s32 s4;
	_ =	sdelay $0x1  }
0xa1: {  	s23 =	simm.s32 $0x1B8B  }
0xa2: {  	_ =	swait.ge [sflag:s23], $0x1  }
0xa3: {  	[sflag:s23] =	ssyncset.done $0x0  }
0xa4: {  	s25 =	simm.s32 $0x1B8E;
	s24 =	sld [smem:$0x3FFE];
	[sflag:s23] =	ssyncadd.s32 $0xFFFFFFFF  }
0xa5: {  	s26 =	simm.s32 $execute0_lowered;
	[smem:$0x3FD2] =	sst s25  }
0xa6: {  	s5 =	sshll.u32 s26, $0x1;
	_ =	strace $0x80000046;
	[dreg:$0x1] =	wrdreg $0xFFFFFFFF  }
0xa7: {  	s28 =	simm.s32 $_size_execute0_lowered;
	s3 =	sadd.s32 s3, s5;
	[dreg:$0x0] =	wrdreg $0x0  }
0xa8: {  	s5 =	sshll.u32 s28, $0x1;
	[dreg:$0x2] =	wrdreg s3  }
0xa9: {  	[dreg:$0x3] =	wrdreg s5  }
0xaa: {  	[dreg:$0x4] =	wrdreg $0xC0  }
0xab: {  	_ =	task [dreg:s7], $0x5FFFF  }
0xac: {  	[dreg:$0x1] =	wrdreg $0xFFFFFFFF  }
0xad: {  	[dreg:$0x0] =	wrdreg $0x60  }
0xae: {  	[dreg:$0x2] =	wrdreg s2  }
0xaf: {  	[dreg:$0x3] =	wrdreg s24  }
0xb0: {  	[dreg:$0x4] =	wrdreg $0xCA000  }
0xb1: {  	[dreg:$0x5] =	wrdreg $0x9  }
0xb2: {  	_ =	task.clear_ibuf [dreg:s7], $0x6FFFF;
	_ =	strace $0x90000046  }
0xb3: {  	s29 =	simm.s32 $0x9;
	_ =	strace $0x80000048  }
0xb4: {  	_ =	swait.ge [sflag:s29], $0x1  }
0xb5: {  	[sflag:s29] =	ssyncadd.s32 $0xFFFFFFFF  }
0xb6: {  	_ =	strace $0x90000048  }
0xb7: {  	_ =	sfence  }
0xb8: {  	s30 =	sld [smem:$0x0];
	_ =	sdelay $0x2  }
0xb9: {  	s31 =	sshll.u32 s1, $0xD;
	s1 =	sshrl.u32 s1, $0x2  }
0xba: {  	s3 =	sand.u32 $0x4000, s31;
	s1 =	sadd.s32 s1, s30  }
0xbb: {  	s0 =	sor.u32 s3, s0;
	s1 =	sshll.u32 s1, $0x11  }
0xbc: {  	s0 =	sor.u32 s1, s0  }
0xbd: {  	s0 =	sadd.s32 $0x8F2B, s0  }
0xbe: {  	[sflag:s0] =	ssyncadd.remote.s32 $0x1  }
0xbf: {  	_ =	sfence.sel $0xFFFF  }
0xc0: {  	[dreg:$0x0] =	wrdreg $0xFFFFFFFF;
	(pc) =	sbr.abs _section_cstart, $3  }
0xc1: {  	[dreg:$0x1] =	wrdreg $0xFFFFFFFF  }
0xc2: {  	_ =	task.clear_ibuf [dreg:s7], $0x2FFFF;
	_ =	strace $0x9FFFFFFF  }
0xc3: {  	(tm) =	ssettm $0x7FFFFFFF  }
tec
execute0_lowered:
.L_overlay_start_1:
0x0: {  	(tag) =	ssettag $0x1  }
0x1: {  	s7 =	rddreg [dreg:$0x0]  }
0x2: {  	s4 =	rddreg [dreg:$0x1]  }
0x3: {  	s2 =	rddreg [dreg:$0x2]  }
0x4: {  	s0 =	rddreg [dreg:$0x3];
	s3 =	simm.s32 $0x0;
	s1 =	stileid.u32  }
0x5: {  	s6 =	srdreg.scid;
	s15 =	simm.s32 $0x5000;
	s16 =	simm.s32 $0x80  }
0x6: {  	s17 =	simm.s32 $0xA000;
	s18 =	simm.s32 $0x1;
	s5 =	smul.u32 $0xA00, s1  }
0x7: {  	s19 =	simm.s32 $0xB100;
	[smem:$0x7FF] =	sst s3;
	s8 =	smul.u32 $0x13C00, s1  }
0x8: {  	s6 =	sand.u32 $0x1, s6;
	s11 =	smul.u32 $0x3200, s1;
	p0 =	sgt.u32 s1, $0x1  }
0x9: {  	_ =	strace $0x80000047;
	s10 =	smul.u32 $0x9C40, s6;
	s25 =	ssub.s32 $0x2, s6  }
0xa: {  	s9 =	sadd.s32 s5, s4;
	s6 =	sshrl.u32 s25, $0x1;
	s8 =	sshrl.u32 s8, $0x2  }
0xb: {  	s26 =	sshrl.u32 s11, $0x1;
	s28 =	sadd.s32 $0x32000, s11;
	s20 =	sshrl.u32 s11, $0x4  }
0xc: {  	s30 =	sadd.s32 $0x64000, s11;
	s14 =	sadd.s32 $0x96000, s11;
	s12 =	sadd.s32 s10, s4  }
0xd: {  	s13 =	ssub.s32 s25, s6;
	s4 =	sadd.s32 s8, s2;
	s5 =	sadd.s32 $0xA400, s9  }
0xe: {  	s6 =	sadd.s32 $0x400, s9;
	s7 =	sadd.s32 s7, s10;
	s8 =	sadd.s32 s26, s2  }
0xf: {  	s29 =	sshrl.u32 s28, $0x1;
	s21 =	sshrl.u32 s28, $0x4;
	s31 =	sshrl.u32 s30, $0x1  }
0x10: {  	s11 =	sshrl.u32 s14, $0x1;
	s22 =	sshrl.u32 s30, $0x4;
	s24 =	sshrl.u32 s14, $0x4  }
0x11: {  	s14 =	simm.s32 $0x2;
	s23 =	sadd.s32 $0x14400, s12;
	s9 =	sadd.s32 s29, s2  }
0x12: {  	s10 =	sadd.s32 s31, s2;
	s11 =	sadd.s32 s11, s2;
	s12 =	smax.u32 s13, $0x1  }
0x13: {  	s13 =	simm.s32 $0xB000;
	s20 =	sadd.s32 s20, s23;
	s21 =	sadd.s32 s21, s23  }
0x14: {  	v0 =	vimm.bf16 $0.0e+00;
	s22 =	sadd.s32 s22, s23;
	s23 =	sadd.s32 @!p0 s24, s23;
	s24 =	simm.s32 $0x0  }
.LBB2_1:
0x15: {  	[tilespmem:$0xB000] =	vst v0  }
0x16: {  	[tilespmem:$0xB010] =	vst v0  }
0x17: {  	[tilespmem:$0xB020] =	vst v0  }
0x18: {  	[tilespmem:$0xB030] =	vst v0  }
0x19: {  	[tilespmem:$0xB040] =	vst v0  }
0x1a: {  	[tilespmem:$0xB050] =	vst v0  }
0x1b: {  	[tilespmem:$0xB060] =	vst v0  }
0x1c: {  	[tilespmem:$0xB070] =	vst v0  }
0x1d: {  	[tilespmem:$0xB080] =	vst v0  }
0x1e: {  	[tilespmem:$0xB090] =	vst v0  }
0x1f: {  	[tilespmem:$0xB0A0] =	vst v0  }
0x20: {  	[tilespmem:$0xB0B0] =	vst v0  }
0x21: {  	[tilespmem:$0xB0C0] =	vst v0  }
0x22: {  	[tilespmem:$0xB0D0] =	vst v0  }
0x23: {  	[tilespmem:$0xB0E0] =	vst v0  }
0x24: {  	[tilespmem:$0xB0F0] =	vst v0;
	s25 =	sadd.s32 $0x0, s4  }
0x25: {  	[spmem:s25] =	stream.linear.scatter [tilespmem:s13], [sflag:$0x2], $0x100, $0x38;
	[tilespmem:$0x11900] =	vst v63  }
0x26: {  	s25 =	simm.s32 $0x400;
	_ =	swait.ge [sflag:s14], $0x100  }
.LBB2_2:
0x27: {  	s26 =	sshra.s32 s25, $0x2;
	[sflag:s14] =	ssyncset.done $0x0;
	p1 =	sne.s32 s25, $0x13800  }
.Ltmp0:
0x28: {  	s26 =	sadd.s32 s26, s4;
	[sflag:s14] =	ssyncadd.s32 $0xFFFFFF00;
	(pc) =	sbr.rel @p1 .LBB2_2-.Ltmp0, $3  }
0x29: {  	[spmem:s26] =	stream.linear.scatter [tilespmem:s13], [sflag:$0x2], $0x100, $0x38;
	[tilespmem:$0x11900] =	vst v63  }
0x2a: {  	s25 =	sadd.s32 $0x400, s25;
	_ =	sdelay $0x1  }
0x2b: {  	_ =	swait.ge [sflag:s14], $0x100  }
0x2c: {  	[sflag:s14] =	ssyncset.done $0x0  }
0x2d: {  	[sflag:s14] =	ssyncadd.s32 $0xFFFFFF00  }
0x2e: {  	s25 =	simm.s32 $0x0;
	[bflag:$0x0] =	sbarrier.arrive $0xFFFF  }
0x2f: {  	[tilespmem:s25], [sflag:$0x2] =	stream.linear.gather [hbm4b:s5+s25], $0x5000, $0x38;
	[tilespmem:$0x11900] =	vst v63  }
0x30: {  	_ =	swait.ge [sflag:s14], $0x5000  }
0x31: {  	[sflag:s14] =	ssyncset.done $0x0  }
0x32: {  	[sflag:s14] =	ssyncadd.s32 $0xFFFFB000  }
0x33: {  	[tilespmem:s15], [sflag:$0x2] =	stream.linear.gather [hbm4b:s6+s25], $0x5000, $0x38;
	[tilespmem:$0x11900] =	vst v63  }
0x34: {  	_ =	swait.ge [sflag:s14], $0x5000  }
0x35: {  	[sflag:s14] =	ssyncset.done $0x0  }
0x36: {  	s30 =	simm.s32 $0x0;
	[sflag:s14] =	ssyncadd.s32 $0xFFFFB000  }
0x37: {  	[tilespmem:s17], [sflag:$0x1] =	stream.indirect.gather [hbm4b:s7+s16], $0x20, s30, s16, $0xb8;
	[tilespmem:$0x11900] =	vst v63  }
0x38: {  	_ =	swait.ge [sflag:s18], $0x1000  }
0x39: {  	[sflag:s18] =	ssyncset.done $0x0  }
0x3a: {  	s31 =	simm.s32 $0x5000;
	[sflag:s18] =	ssyncadd.s32 $0xFFFFF000  }
0x3b: {  	[spmem:s2] =	stream.indirect.scatter.add.bf16 [tilespmem:s17], [sflag:$0x2], $0x20, s31, s16, $0xb8;
	[tilespmem:$0x11900] =	vst v63  }
0x3c: {  	_ =	swait.ge [sflag:s14], $0x1000  }
0x3d: {  	s26 =	simm.s32 $0x400;
	s25 =	simm.s32 $0x200;
	[sflag:s14] =	ssyncset.done $0x0  }
.LBB2_4:
0x3e: {  	s28 =	sshra.s32 s25, $0x2  }
0x3f: {  	[sflag:s14] =	ssyncadd.s32 $0xFFFFF000;
	s25 =	smov.u32 s26;
	s29 =	sadd.s32 $0x200, s26  }
0x40: {  	[tilespmem:s17], [sflag:$0x1] =	stream.indirect.gather [hbm4b:s7+s16], $0x20, s28, s16, $0xb8;
	[tilespmem:$0x11900] =	vst v63  }
0x41: {  	p1 =	sne.s32 s26, $0x13E00;
	_ =	swait.ge [sflag:s18], $0x1000  }
.Ltmp1:
0x42: {  	[sflag:s18] =	ssyncset.done $0x0;
	(pc) =	sbr.rel @p1 .LBB2_4-.Ltmp1, $4  }
0x43: {  	s26 =	sadd.s32 $0x5000, s28;
	[sflag:s18] =	ssyncadd.s32 $0xFFFFF000  }
0x44: {  	[spmem:s2] =	stream.indirect.scatter.add.bf16 [tilespmem:s17], [sflag:$0x2], $0x20, s26, s16, $0xb8;
	[tilespmem:$0x11900] =	vst v63  }
0x45: {  	_ =	swait.ge [sflag:s14], $0x1000  }
0x46: {  	s26 =	smov.u32 s29;
	[sflag:s14] =	ssyncset.done $0x0  }
0x47: {  	s25 =	sshra.s32 s25, $0x2;
	[sflag:s14] =	ssyncadd.s32 $0xFFFFF000  }
0x48: {  	[tilespmem:s17], [sflag:$0x1] =	stream.indirect.gather [hbm4b:s7+s16], $0x20, s25, s16, $0xb8;
	[tilespmem:$0x11900] =	vst v63  }
0x49: {  	_ =	swait.ge [sflag:s18], $0x1000  }
0x4a: {  	[sflag:s18] =	ssyncset.done $0x0  }
0x4b: {  	s25 =	sadd.s32 $0x5000, s25;
	[sflag:s18] =	ssyncadd.s32 $0xFFFFF000  }
0x4c: {  	[spmem:s2] =	stream.indirect.scatter.add.bf16 [tilespmem:s17], [sflag:$0x2], $0x20, s25, s16, $0xb8;
	[tilespmem:$0x11900] =	vst v63  }
0x4d: {  	_ =	swait.ge [sflag:s14], $0x1000  }
0x4e: {  	[sflag:s14] =	ssyncset.done $0x0  }
0x4f: {  	[sflag:s14] =	ssyncadd.s32 $0xFFFFF000  }
0x50: {  	[bflag:$0x0] =	sbarrier.arrive $0xFFFF  }
0x51: {  	[tilespmem:s19], [sflag:$0x2] =	stream.linear.gather [spmem:s8], $0x1900, $0x38;
	[tilespmem:$0x11900] =	vst v63  }
0x52: {  	_ =	swait.ge [sflag:s14], $0x1900  }
0x53: {  	[sflag:s14] =	ssyncset.done $0x0  }
0x54: {  	[sflag:s14] =	ssyncadd.s32 $0xFFFFE700  }
0x55: {  	[hbm4b:s20+s3] =	stream.linear.scatter [tilespmem:s19], [sflag:$0x2], $0x1900, $0x38;
	[tilespmem:$0x11900] =	vst v63  }
0x56: {  	_ =	swait.ge [sflag:s14], $0x1900  }
0x57: {  	[sflag:s14] =	ssyncset.done $0x0  }
0x58: {  	[sflag:s14] =	ssyncadd.s32 $0xFFFFE700  }
0x59: {  	[tilespmem:s19], [sflag:$0x2] =	stream.linear.gather [spmem:s9], $0x1900, $0x38;
	[tilespmem:$0x11900] =	vst v63  }
0x5a: {  	_ =	swait.ge [sflag:s14], $0x1900  }
0x5b: {  	[sflag:s14] =	ssyncset.done $0x0  }
0x5c: {  	[sflag:s14] =	ssyncadd.s32 $0xFFFFE700  }
0x5d: {  	[hbm4b:s21+s3] =	stream.linear.scatter [tilespmem:s19], [sflag:$0x2], $0x1900, $0x38;
	[tilespmem:$0x11900] =	vst v63  }
0x5e: {  	_ =	swait.ge [sflag:s14], $0x1900  }
0x5f: {  	[sflag:s14] =	ssyncset.done $0x0  }
0x60: {  	[sflag:s14] =	ssyncadd.s32 $0xFFFFE700  }
0x61: {  	[tilespmem:s19], [sflag:$0x2] =	stream.linear.gather [spmem:s10], $0x1900, $0x38;
	[tilespmem:$0x11900] =	vst v63  }
0x62: {  	_ =	swait.ge [sflag:s14], $0x1900  }
0x63: {  	[sflag:s14] =	ssyncset.done $0x0  }
0x64: {  	[sflag:s14] =	ssyncadd.s32 $0xFFFFE700  }
0x65: {  	[hbm4b:s22+s3] =	stream.linear.scatter [tilespmem:s19], [sflag:$0x2], $0x1900, $0x38;
	[tilespmem:$0x11900] =	vst v63  }
0x66: {  	_ =	swait.ge [sflag:s14], $0x1900  }
0x67: {  	[sflag:s14] =	ssyncset.done $0x0  }
0x68: {  	s26 =	simm.s32 @!p0 $0x2;
	s25 =	simm.s32 @!p0 $0xB100;
	[sflag:s14] =	ssyncadd.s32 $0xFFFFE700  }
0x69: {  	[tilespmem:s25], [sflag:$0x2] =	stream.linear.gather @!p0 [spmem:s11], $0x1900, $0x38;
	[tilespmem:$0x11900] =	vst v63  }
0x6a: {  	s24 =	sadd.s32 $0x1, s24;
	_ =	swait.ge @!p0 [sflag:s26], $0x1900  }
0x6b: {  	p1 =	sne.s32 s24, s12;
	[sflag:s26] =	ssyncset.done @!p0 $0x0  }
.Ltmp2:
0x6c: {  	s28 =	simm.s32 @!p0 $0x0;
	[sflag:s26] =	ssyncadd.s32 @!p0 $0xFFFFE700;
	(pc) =	sbr.rel @p1 .LBB2_1-.Ltmp2, $4  }
0x6d: {  	[hbm4b:s23+s28] =	stream.linear.scatter @!p0 [tilespmem:s25], [sflag:$0x2], $0x1900, $0x38;
	[tilespmem:$0x11900] =	vst v63  }
0x6e: {  	_ =	swait.ge @!p0 [sflag:s26], $0x1900  }
0x6f: {  	[sflag:s26] =	ssyncset.done @!p0 $0x0  }
0x70: {  	[sflag:s26] =	ssyncadd.s32 @!p0 $0xFFFFE700  }
0x71: {  	_ =	sfence.sel $0x180000  }
0x72: {  	[bflag:$0x0] =	sbarrier.arrive $0xFFFF  }
0x73: {  	p0 =	sne.s32 s1, $0x0;
	_ =	strace $0x90000047  }
0x74: {  	s0 =	sadd.s32 @!p0 $0x100000, s0;
	[bflag:$0x2] =	sbarrier.arrive $0xFFFF  }
0x75: {  	[sflag:s0] =	ssyncadd.tile.s32 @!p0 $0x1;
	_ =	shalt  }
.Lfunc_end2:
_tile_overlayer_lowered:
.L_overlay_start_2:
0x76: {  	(tag) =	ssettag $0x2  }
0x77: {  	s0 =	rddreg [dreg:$0x0];
	s2 =	stileid.u32  }
0x78: {  	s1 =	rddreg [dreg:$0x1];
	p0 =	sne.s32 s2, $0x0  }
0x79: {  	s3 =	rddreg [dreg:$0x2];
	[bflag:$0x3] =	sbarrier.arrive $0xFFFF;
	s2 =	simm.s32 @!p0 $0x1C02  }
0x7a: {  	[timem:s3], [sflag:s2] =	dma.local @!p0 [hbm:s0], s1  }
0x7b: {  	s0 =	simm.s32 @!p0 $0x2  }
0x7c: {  	_ =	swait.ge @!p0 [sflag:s0], s1  }
0x7d: {  	s1 =	ssub.s32 @!p0 $0x0, s1;
	[sflag:s0] =	ssyncset.done @!p0 $0x0  }
0x7e: {  	[sflag:s0] =	ssyncadd.s32 @!p0 s1  }
0x7f: {  	[bflag:$0x3] =	sbarrier.arrive $0xFFFF  }
0x80: {  	_ =	shalt  }

</sc_bundles>
